<compile_context>
chip_gen: v7x
topology: tpu7x:2x2x1
jax: 0.10.2.dev20260603
libtpu: 0.0.44.dev20260713+nightly
codegen_flags: <defaults>
</compile_context>

<pallas_src>
import functools

import jax
import jax.numpy as jnp
from jax import lax
from jax.experimental import pallas as pl
from jax.experimental.pallas import tpu as pltpu
from jax.experimental.pallas import tpu_sc as plsc

VOCAB = 1000000
BATCH = 16384
FIELDS = 26

NUM_WORKERS = 32
LANES = 16
BPW = BATCH // NUM_WORKERS
IPW = BPW * FIELDS

W_SLICE = 62592
W_LAST = VOCAB - 15 * W_SLICE

GROUPS = ((0, 7), (7, 13), (13, 20), (20, 26))


def _sc_body(fid_hbm, fval_hbm, w_hbm, bias_hbm, out_hbm,
             idx_v, emb_v, val_v, out_v, bias_v, w_sh, sem, wsem):
    c = lax.axis_index("c")
    s = lax.axis_index("s")
    wid = s * 2 + c
    base_b = wid * BPW

    w_off = s * W_SLICE

    @pl.when(s < 15)
    def _():
        pltpu.make_async_copy(
            w_hbm.at[:, pl.ds(w_off, W_SLICE)],
            w_sh.at[:, pl.ds(w_off, W_SLICE)], wsem).start()

    @pl.when(s == 15)
    def _():
        pltpu.make_async_copy(
            w_hbm.at[:, pl.ds(15 * W_SLICE, W_LAST)],
            w_sh.at[:, pl.ds(15 * W_SLICE, W_LAST)], wsem).start()

    def stage(j, carry):
        pltpu.make_async_copy(
            fid_hbm.at[pl.ds(j * BATCH + base_b, BPW)],
            idx_v.at[pl.ds(j * BPW, BPW)], sem).start()
        return carry

    lax.fori_loop(0, FIELDS, stage, 0)
    col = pl.multiple_of(base_b, BPW)
    for tr, nr in ((0, 8), (8, 8), (16, 8), (24, 2)):
        pltpu.make_async_copy(
            fval_hbm.at[pl.ds(tr, nr), pl.ds(col, BPW)],
            val_v.at[pl.ds(tr, nr), :], sem).start()
    pltpu.sync_copy(bias_hbm, bias_v)

    def drain_idx(j, carry):
        pltpu.make_async_copy(
            fid_hbm.at[pl.ds(j * BATCH + base_b, BPW)],
            idx_v.at[pl.ds(j * BPW, BPW)], sem).wait()
        return carry

    lax.fori_loop(0, FIELDS, drain_idx, 0)

    @pl.when(s < 15)
    def _():
        pltpu.make_async_copy(
            w_hbm.at[:, pl.ds(w_off, W_SLICE)],
            w_sh.at[:, pl.ds(w_off, W_SLICE)], wsem).wait()

    @pl.when(s == 15)
    def _():
        pltpu.make_async_copy(
            w_hbm.at[:, pl.ds(15 * W_SLICE, W_LAST)],
            w_sh.at[:, pl.ds(15 * W_SLICE, W_LAST)], wsem).wait()

    plsc.subcore_barrier()

    gathers = []
    for lo, hi in GROUPS:
        n = (hi - lo) * BPW
        g = pltpu.make_async_copy(
            w_sh.at[0].at[idx_v.at[pl.ds(lo * BPW, n)]],
            emb_v.at[pl.ds(lo * BPW, n)], sem)
        g.start()
        gathers.append(g)

    for tr, nr in ((0, 8), (8, 8), (16, 8), (24, 2)):
        pltpu.make_async_copy(
            fval_hbm.at[pl.ds(tr, nr), pl.ds(col, BPW)],
            val_v.at[pl.ds(tr, nr), :], sem).wait()

    zero = jnp.zeros((LANES,), jnp.int32)
    bias = plsc.load_gather(bias_v, [zero])

    for gi, (lo, hi) in enumerate(GROUPS):
        gathers[gi].wait()

        def group_body(cc, carry, lo=lo, hi=hi, first=(gi == 0)):
            off = cc * LANES
            acc = bias if first else out_v[pl.ds(off, LANES)]
            for j in range(lo, hi):
                e = emb_v[pl.ds(j * BPW + off, LANES)]
                v = val_v[j, pl.ds(off, LANES)]
                acc = acc + e * v
            out_v[pl.ds(off, LANES)] = acc
            return carry

        lax.fori_loop(0, BPW // LANES, group_body, 0)

    pltpu.sync_copy(out_v, out_hbm.at[pl.ds(base_b, BPW)])


_sc_kernel = functools.partial(
    pl.kernel,
    mesh=plsc.VectorSubcoreMesh(core_axis_name="c", subcore_axis_name="s"),
    out_type=jax.ShapeDtypeStruct((BATCH,), jnp.float32),
    scratch_types=[
        pltpu.VMEM((IPW,), jnp.int32),
        pltpu.VMEM((IPW,), jnp.float32),
        pltpu.VMEM((FIELDS, BPW), jnp.float32),
        pltpu.VMEM((BPW,), jnp.float32),
        pltpu.VMEM((1,), jnp.float32),
        pltpu.VMEM_SHARED((1, VOCAB), jnp.float32),
        pltpu.SemaphoreType.DMA,
        pltpu.SemaphoreType.DMA,
    ],
    compiler_params=pltpu.CompilerParams(needs_layout_passes=False),
)(_sc_body)


@jax.jit
def kernel(feature_id, feature_val, W, bias):
    fid = feature_id.astype(jnp.int32).T.reshape(-1)
    return _sc_kernel(fid, feature_val.T, W.T, bias)

# --- scband reference (transcript-rebuilt; emitter-appended) ---
"""Pipeline reference for scband-linear-layer-10557029614037 (READ-ONLY COPY).

The authoritative reference and input builder live on the scoring server;
editing this copy changes nothing except your own understanding.
"""

import jax, jax.numpy as jnp
import numpy as np

VOCAB = 1000000
BATCH = 16384
FIELDS = 26


def setup_inputs(seed: int = 0) -> dict:
    key = jax.random.key(seed)
    k1, k2, k3 = jax.random.split(key, 3)
    feature_id = jax.random.randint(k1, (BATCH, FIELDS), 0, VOCAB, dtype=jnp.int64)
    feature_val = jax.random.uniform(k2, (BATCH, FIELDS), dtype=jnp.float32)
    # xavier_uniform for Embedding(input_dim, 1): fan_in=VOCAB, fan_out=1
    limit = float(np.sqrt(6.0 / (VOCAB + 1)))
    W = jax.random.uniform(k3, (VOCAB, 1), dtype=jnp.float32, minval=-limit, maxval=limit)
    bias = jnp.zeros((1,), dtype=jnp.float32)
    return {"feature_id": feature_id, "feature_val": feature_val, "W": W, "bias": bias}


def reference(feature_id, feature_val, W, bias):
    # logit = sum_j W[feature_id[b, j]] * feature_val[b, j] + bias
    emb = jnp.take(W, feature_id, axis=0)            # [B, F, 1]
    emb = jnp.squeeze(emb, axis=2)                   # [B, F]
    logit = jnp.sum(emb * feature_val, axis=1) + bias  # [B]
    return logit

if __name__ == "__main__":
    import jax
    _d = setup_inputs()
    print(jax.jit(kernel)(*tuple(_d.values())))

</pallas_src>

<mosaic_0001>
#map = affine_map<(d0, d1) -> (0)>
#map1 = affine_map<(d0, d1) -> (0, 0)>
module attributes {stable_mosaic.version = 14 : i64} {
  func.func @_sc_body(%arg0: i32, %arg1: i32, %arg2: memref<425984xi32, #tpu.memory_space<hbm>>, %arg3: memref<26x16384xf32, #tpu.memory_space<hbm>>, %arg4: memref<1x1000000xf32, #tpu.memory_space<hbm>>, %arg5: memref<1xf32, #tpu.memory_space<hbm>>, %arg6: memref<16384xf32, #tpu.memory_space<hbm>>, %arg7: memref<13312xi32, #tpu.memory_space<vmem>>, %arg8: memref<13312xf32, #tpu.memory_space<vmem>>, %arg9: memref<26x512xf32, #tpu.memory_space<vmem>>, %arg10: memref<512xf32, #tpu.memory_space<vmem>>, %arg11: memref<1xf32, #tpu.memory_space<vmem>>, %arg12: memref<1x1000000xf32, #tpu.memory_space<vmem_shared>>, %arg13: memref<!tpu.dma_semaphore, #tpu.memory_space<semaphore_mem>>, %arg14: memref<!tpu.dma_semaphore, #tpu.memory_space<semaphore_mem>>) attributes {dimension_semantics = [#tpu.dimension_semantics<core_parallel>, #tpu.dimension_semantics<subcore_parallel>], iteration_bounds = array<i64: 2, 16>, scalar_prefetch = 0 : i64, scratch_operands = 8 : i64, tpu.core_type = #tpu.core_type<sc_vector_subcore>, window_params = [{transform_indices = #map}, {transform_indices = #map1}, {transform_indices = #map1}, {transform_indices = #map}, {transform_indices = #map}]} {
    %mul3A = arith.constant 2 : i32
    %mul3A_0 = arith.muli %arg1, %mul3A : i32
    %add3A = arith.addi %mul3A_0, %arg0 : i32
    %mul3A_1 = arith.constant 512 : i32
    %mul3A_2 = arith.muli %add3A, %mul3A_1 : i32
    %mul3A_3 = arith.constant 62592 : i32
    %mul3A_4 = arith.muli %arg1, %mul3A_3 : i32
    %lt3A = arith.constant 15 : i32
    %lt3A_5 = arith.cmpi slt, %arg1, %lt3A : i32
    %convert_element_type3A = arith.extui %lt3A_5 : i1 to i32
    %cond3A = arith.constant 0 : i32
    %cond3A_6 = arith.cmpi ne, %convert_element_type3A, %cond3A : i32
    scf.if %cond3A_6 {
      %dma_start3A_215 = arith.constant 0 : i32
      %dma_start3A_216 = tpu.memref_slice %arg12[%dma_start3A_215, %mul3A_4] : memref<1x1000000xf32, #tpu.memory_space<vmem_shared>> -> memref<1x62592xf32, #tpu.memory_space<vmem_shared>>
      %dma_start3A_217 = arith.constant 0 : i32
      %dma_start3A_218 = tpu.memref_slice %arg4[%dma_start3A_217, %mul3A_4] : memref<1x1000000xf32, #tpu.memory_space<hbm>> -> memref<1x62592xf32, #tpu.memory_space<hbm>>
      tpu.enqueue_dma source(%dma_start3A_218 : memref<1x62592xf32, #tpu.memory_space<hbm>>) target(%dma_start3A_216 : memref<1x62592xf32, #tpu.memory_space<vmem_shared>>) target_semaphore(%arg14 : memref<!tpu.dma_semaphore, #tpu.memory_space<semaphore_mem>>)
    } else {
    }
    %eq3A = arith.constant 15 : i32
    %eq3A_7 = arith.cmpi eq, %arg1, %eq3A : i32
    %convert_element_type3A_8 = arith.extui %eq3A_7 : i1 to i32
    %cond3A_9 = arith.constant 0 : i32
    %cond3A_10 = arith.cmpi ne, %convert_element_type3A_8, %cond3A_9 : i32
    scf.if %cond3A_10 {
      %dma_start3A_215 = arith.constant 0 : i32
      %dma_start3A_216 = arith.constant 938880 : i32
      %dma_start3A_217 = tpu.memref_slice %arg12[%dma_start3A_215, %dma_start3A_216] : memref<1x1000000xf32, #tpu.memory_space<vmem_shared>> -> memref<1x61120xf32, #tpu.memory_space<vmem_shared>>
      %dma_start3A_218 = arith.constant 0 : i32
      %dma_start3A_219 = arith.constant 938880 : i32
      %dma_start3A_220 = tpu.memref_slice %arg4[%dma_start3A_218, %dma_start3A_219] : memref<1x1000000xf32, #tpu.memory_space<hbm>> -> memref<1x61120xf32, #tpu.memory_space<hbm>>
      tpu.enqueue_dma source(%dma_start3A_220 : memref<1x61120xf32, #tpu.memory_space<hbm>>) target(%dma_start3A_217 : memref<1x61120xf32, #tpu.memory_space<vmem_shared>>) target_semaphore(%arg14 : memref<!tpu.dma_semaphore, #tpu.memory_space<semaphore_mem>>)
    } else {
    }
    %scan3A = arith.constant 0 : i32
    %scan3A_11 = arith.constant 0 : i32
    %scan3A_12 = arith.constant 26 : i32
    %scan3A_13 = arith.addi %scan3A_11, %scan3A_12 : i32
    %scan3A_14 = arith.constant 1 : i32
    scf.for %scan3A_215 = %scan3A_11 to %scan3A_13 step %scan3A_14  : i32 {
      %mul3A_216 = arith.constant 16384 : i32
      %mul3A_217 = arith.muli %scan3A_215, %mul3A_216 : i32
      %add3A_218 = arith.addi %mul3A_217, %mul3A_2 : i32
      %mul3A_219 = arith.constant 512 : i32
      %mul3A_220 = arith.muli %scan3A_215, %mul3A_219 : i32
      %dma_start3A_221 = tpu.memref_slice %arg7[%mul3A_220] : memref<13312xi32, #tpu.memory_space<vmem>> -> memref<512xi32, #tpu.memory_space<vmem>>
      %dma_start3A_222 = tpu.memref_slice %arg2[%add3A_218] : memref<425984xi32, #tpu.memory_space<hbm>> -> memref<512xi32, #tpu.memory_space<hbm>>
      %dma_start3A_223 = tpu.memref_slice %arg7[%mul3A_220] : memref<13312xi32, #tpu.memory_space<vmem>> -> memref<512xi32, #tpu.memory_space<vmem>>
      %dma_start3A_224 = tpu.memref_slice %arg2[%add3A_218] : memref<425984xi32, #tpu.memory_space<hbm>> -> memref<512xi32, #tpu.memory_space<hbm>>
      tpu.enqueue_dma source(%dma_start3A_224 : memref<512xi32, #tpu.memory_space<hbm>>) target(%dma_start3A_223 : memref<512xi32, #tpu.memory_space<vmem>>) target_semaphore(%arg13 : memref<!tpu.dma_semaphore, #tpu.memory_space<semaphore_mem>>)
    }
    %scan3A_15 = arith.constant 26 : i32
    %multiple_of3A = tpu.assume_multiple %mul3A_2, 512 : i32
    %dma_start3A = arith.constant 0 : i32
    %dma_start3A_16 = arith.constant 0 : i32
    %dma_start3A_17 = tpu.memref_slice %arg9[%dma_start3A, %dma_start3A_16] : memref<26x512xf32, #tpu.memory_space<vmem>> -> memref<8x512xf32, #tpu.memory_space<vmem>>
    %dma_start3A_18 = arith.constant 0 : i32
    %dma_start3A_19 = tpu.memref_slice %arg3[%dma_start3A_18, %multiple_of3A] : memref<26x16384xf32, #tpu.memory_space<hbm>> -> memref<8x512xf32, #tpu.memory_space<hbm>>
    %dma_start3A_20 = arith.constant 0 : i32
    %dma_start3A_21 = arith.constant 0 : i32
    %dma_start3A_22 = tpu.memref_slice %arg9[%dma_start3A_20, %dma_start3A_21] : memref<26x512xf32, #tpu.memory_space<vmem>> -> memref<8x512xf32, #tpu.memory_space<vmem>>
    %dma_start3A_23 = arith.constant 0 : i32
    %dma_start3A_24 = tpu.memref_slice %arg3[%dma_start3A_23, %multiple_of3A] : memref<26x16384xf32, #tpu.memory_space<hbm>> -> memref<8x512xf32, #tpu.memory_space<hbm>>
    tpu.enqueue_dma source(%dma_start3A_24 : memref<8x512xf32, #tpu.memory_space<hbm>>) target(%dma_start3A_22 : memref<8x512xf32, #tpu.memory_space<vmem>>) target_semaphore(%arg13 : memref<!tpu.dma_semaphore, #tpu.memory_space<semaphore_mem>>)
    %dma_start3A_25 = arith.constant 8 : i32
    %dma_start3A_26 = arith.constant 0 : i32
    %dma_start3A_27 = tpu.memref_slice %arg9[%dma_start3A_25, %dma_start3A_26] : memref<26x512xf32, #tpu.memory_space<vmem>> -> memref<8x512xf32, #tpu.memory_space<vmem>>
    %dma_start3A_28 = arith.constant 8 : i32
    %dma_start3A_29 = tpu.memref_slice %arg3[%dma_start3A_28, %multiple_of3A] : memref<26x16384xf32, #tpu.memory_space<hbm>> -> memref<8x512xf32, #tpu.memory_space<hbm>>
    %dma_start3A_30 = arith.constant 8 : i32
    %dma_start3A_31 = arith.constant 0 : i32
    %dma_start3A_32 = tpu.memref_slice %arg9[%dma_start3A_30, %dma_start3A_31] : memref<26x512xf32, #tpu.memory_space<vmem>> -> memref<8x512xf32, #tpu.memory_space<vmem>>
    %dma_start3A_33 = arith.constant 8 : i32
    %dma_start3A_34 = tpu.memref_slice %arg3[%dma_start3A_33, %multiple_of3A] : memref<26x16384xf32, #tpu.memory_space<hbm>> -> memref<8x512xf32, #tpu.memory_space<hbm>>
    tpu.enqueue_dma source(%dma_start3A_34 : memref<8x512xf32, #tpu.memory_space<hbm>>) target(%dma_start3A_32 : memref<8x512xf32, #tpu.memory_space<vmem>>) target_semaphore(%arg13 : memref<!tpu.dma_semaphore, #tpu.memory_space<semaphore_mem>>)
    %dma_start3A_35 = arith.constant 16 : i32
    %dma_start3A_36 = arith.constant 0 : i32
    %dma_start3A_37 = tpu.memref_slice %arg9[%dma_start3A_35, %dma_start3A_36] : memref<26x512xf32, #tpu.memory_space<vmem>> -> memref<8x512xf32, #tpu.memory_space<vmem>>
    %dma_start3A_38 = arith.constant 16 : i32
    %dma_start3A_39 = tpu.memref_slice %arg3[%dma_start3A_38, %multiple_of3A] : memref<26x16384xf32, #tpu.memory_space<hbm>> -> memref<8x512xf32, #tpu.memory_space<hbm>>
    %dma_start3A_40 = arith.constant 16 : i32
    %dma_start3A_41 = arith.constant 0 : i32
    %dma_start3A_42 = tpu.memref_slice %arg9[%dma_start3A_40, %dma_start3A_41] : memref<26x512xf32, #tpu.memory_space<vmem>> -> memref<8x512xf32, #tpu.memory_space<vmem>>
    %dma_start3A_43 = arith.constant 16 : i32
    %dma_start3A_44 = tpu.memref_slice %arg3[%dma_start3A_43, %multiple_of3A] : memref<26x16384xf32, #tpu.memory_space<hbm>> -> memref<8x512xf32, #tpu.memory_space<hbm>>
    tpu.enqueue_dma source(%dma_start3A_44 : memref<8x512xf32, #tpu.memory_space<hbm>>) target(%dma_start3A_42 : memref<8x512xf32, #tpu.memory_space<vmem>>) target_semaphore(%arg13 : memref<!tpu.dma_semaphore, #tpu.memory_space<semaphore_mem>>)
    %dma_start3A_45 = arith.constant 24 : i32
    %dma_start3A_46 = arith.constant 0 : i32
    %dma_start3A_47 = tpu.memref_slice %arg9[%dma_start3A_45, %dma_start3A_46] : memref<26x512xf32, #tpu.memory_space<vmem>> -> memref<2x512xf32, #tpu.memory_space<vmem>>
    %dma_start3A_48 = arith.constant 24 : i32
    %dma_start3A_49 = tpu.memref_slice %arg3[%dma_start3A_48, %multiple_of3A] : memref<26x16384xf32, #tpu.memory_space<hbm>> -> memref<2x512xf32, #tpu.memory_space<hbm>>
    %dma_start3A_50 = arith.constant 24 : i32
    %dma_start3A_51 = arith.constant 0 : i32
    %dma_start3A_52 = tpu.memref_slice %arg9[%dma_start3A_50, %dma_start3A_51] : memref<26x512xf32, #tpu.memory_space<vmem>> -> memref<2x512xf32, #tpu.memory_space<vmem>>
    %dma_start3A_53 = arith.constant 24 : i32
    %dma_start3A_54 = tpu.memref_slice %arg3[%dma_start3A_53, %multiple_of3A] : memref<26x16384xf32, #tpu.memory_space<hbm>> -> memref<2x512xf32, #tpu.memory_space<hbm>>
    tpu.enqueue_dma source(%dma_start3A_54 : memref<2x512xf32, #tpu.memory_space<hbm>>) target(%dma_start3A_52 : memref<2x512xf32, #tpu.memory_space<vmem>>) target_semaphore(%arg13 : memref<!tpu.dma_semaphore, #tpu.memory_space<semaphore_mem>>)
    "tpu.region"() ({
      %run_scoped3A = tpu.sem_alloc : memref<!tpu.dma_semaphore, #tpu.memory_space<semaphore_mem>>
      tpu.enqueue_dma source(%arg5 : memref<1xf32, #tpu.memory_space<hbm>>) target(%arg11 : memref<1xf32, #tpu.memory_space<vmem>>) target_semaphore(%run_scoped3A : memref<!tpu.dma_semaphore, #tpu.memory_space<semaphore_mem>>)
      tpu.wait_dma2 semaphore(%run_scoped3A : memref<!tpu.dma_semaphore, #tpu.memory_space<semaphore_mem>>) src(%arg5 : memref<1xf32, #tpu.memory_space<hbm>>) dst(%arg11 : memref<1xf32, #tpu.memory_space<vmem>>)
      tpu.yield
    }) : () -> ()
    %scan3A_55 = arith.constant 0 : i32
    %scan3A_56 = arith.constant 0 : i32
    %scan3A_57 = arith.constant 26 : i32
    %scan3A_58 = arith.addi %scan3A_56, %scan3A_57 : i32
    %scan3A_59 = arith.constant 1 : i32
    scf.for %scan3A_215 = %scan3A_56 to %scan3A_58 step %scan3A_59  : i32 {
      %mul3A_216 = arith.constant 16384 : i32
      %mul3A_217 = arith.muli %scan3A_215, %mul3A_216 : i32
      %add3A_218 = arith.addi %mul3A_217, %mul3A_2 : i32
      %mul3A_219 = arith.constant 512 : i32
      %mul3A_220 = arith.muli %scan3A_215, %mul3A_219 : i32
      %dma_wait3A_221 = tpu.memref_slice %arg7[%mul3A_220] : memref<13312xi32, #tpu.memory_space<vmem>> -> memref<512xi32, #tpu.memory_space<vmem>>
      %dma_wait3A_222 = tpu.memref_slice %arg2[%add3A_218] : memref<425984xi32, #tpu.memory_space<hbm>> -> memref<512xi32, #tpu.memory_space<hbm>>
      %dma_wait3A_223 = tpu.memref_slice %arg7[%mul3A_220] : memref<13312xi32, #tpu.memory_space<vmem>> -> memref<512xi32, #tpu.memory_space<vmem>>
      %dma_wait3A_224 = tpu.memref_slice %arg2[%add3A_218] : memref<425984xi32, #tpu.memory_space<hbm>> -> memref<512xi32, #tpu.memory_space<hbm>>
      tpu.wait_dma2 semaphore(%arg13 : memref<!tpu.dma_semaphore, #tpu.memory_space<semaphore_mem>>) src(%dma_wait3A_224 : memref<512xi32, #tpu.memory_space<hbm>>) dst(%dma_wait3A_223 : memref<512xi32, #tpu.memory_space<vmem>>)
    }
    %scan3A_60 = arith.constant 26 : i32
    %lt3A_61 = arith.constant 15 : i32
    %lt3A_62 = arith.cmpi slt, %arg1, %lt3A_61 : i32
    %convert_element_type3A_63 = arith.extui %lt3A_62 : i1 to i32
    %cond3A_64 = arith.constant 0 : i32
    %cond3A_65 = arith.cmpi ne, %convert_element_type3A_63, %cond3A_64 : i32
    scf.if %cond3A_65 {
      %dma_wait3A_215 = arith.constant 0 : i32
      %dma_wait3A_216 = tpu.memref_slice %arg12[%dma_wait3A_215, %mul3A_4] : memref<1x1000000xf32, #tpu.memory_space<vmem_shared>> -> memref<1x62592xf32, #tpu.memory_space<vmem_shared>>
      %dma_wait3A_217 = arith.constant 0 : i32
      %dma_wait3A_218 = tpu.memref_slice %arg4[%dma_wait3A_217, %mul3A_4] : memref<1x1000000xf32, #tpu.memory_space<hbm>> -> memref<1x62592xf32, #tpu.memory_space<hbm>>
      tpu.wait_dma2 semaphore(%arg14 : memref<!tpu.dma_semaphore, #tpu.memory_space<semaphore_mem>>) src(%dma_wait3A_218 : memref<1x62592xf32, #tpu.memory_space<hbm>>) dst(%dma_wait3A_216 : memref<1x62592xf32, #tpu.memory_space<vmem_shared>>)
    } else {
    }
    %eq3A_66 = arith.constant 15 : i32
    %eq3A_67 = arith.cmpi eq, %arg1, %eq3A_66 : i32
    %convert_element_type3A_68 = arith.extui %eq3A_67 : i1 to i32
    %cond3A_69 = arith.constant 0 : i32
    %cond3A_70 = arith.cmpi ne, %convert_element_type3A_68, %cond3A_69 : i32
    scf.if %cond3A_70 {
      %dma_wait3A_215 = arith.constant 0 : i32
      %dma_wait3A_216 = arith.constant 938880 : i32
      %dma_wait3A_217 = tpu.memref_slice %arg12[%dma_wait3A_215, %dma_wait3A_216] : memref<1x1000000xf32, #tpu.memory_space<vmem_shared>> -> memref<1x61120xf32, #tpu.memory_space<vmem_shared>>
      %dma_wait3A_218 = arith.constant 0 : i32
      %dma_wait3A_219 = arith.constant 938880 : i32
      %dma_wait3A_220 = tpu.memref_slice %arg4[%dma_wait3A_218, %dma_wait3A_219] : memref<1x1000000xf32, #tpu.memory_space<hbm>> -> memref<1x61120xf32, #tpu.memory_space<hbm>>
      tpu.wait_dma2 semaphore(%arg14 : memref<!tpu.dma_semaphore, #tpu.memory_space<semaphore_mem>>) src(%dma_wait3A_220 : memref<1x61120xf32, #tpu.memory_space<hbm>>) dst(%dma_wait3A_217 : memref<1x61120xf32, #tpu.memory_space<vmem_shared>>)
    } else {
    }
    %barrier3A = arith.constant 0 : index
    tpu.barrier barrier_id(%barrier3A)
    %dma_start3A_71 = arith.constant 0 : i32
    %dma_start3A_72 = arith.constant 0 : i32
    %dma_start3A_73 = tpu.memref_slice %arg8[%dma_start3A_72] : memref<13312xf32, #tpu.memory_space<vmem>> -> memref<3584xf32, #tpu.memory_space<vmem>>
    %dma_start3A_74 = arith.constant 0 : i32
    %dma_start3A_75 = tpu.memref_slice %arg7[%dma_start3A_74] : memref<13312xi32, #tpu.memory_space<vmem>> -> memref<3584xi32, #tpu.memory_space<vmem>>
    %dma_start3A_76 = arith.constant 0 : i32
    %dma_start3A_77 = tpu.memref_slice %arg12[%dma_start3A_71, %dma_start3A_76] : memref<1x1000000xf32, #tpu.memory_space<vmem_shared>> -> memref<1x1000000xf32, #tpu.memory_space<vmem_shared>>
    %dma_start3A_78 = tpu.memref_squeeze %dma_start3A_77 : memref<1x1000000xf32, #tpu.memory_space<vmem_shared>> -> memref<1000000xf32, #tpu.memory_space<vmem_shared>>
    %dma_start3A_79 = arith.constant 0 : i32
    %dma_start3A_80 = tpu.memref_slice %dma_start3A_78[%dma_start3A_79] : memref<1000000xf32, #tpu.memory_space<vmem_shared>> -> memref<1000000xf32, #tpu.memory_space<vmem_shared>>
    tpu.enqueue_indirect_dma source(%dma_start3A_80 : memref<1000000xf32, #tpu.memory_space<vmem_shared>>) target(%dma_start3A_73 : memref<3584xf32, #tpu.memory_space<vmem>>) offsets(%dma_start3A_75 : memref<3584xi32, #tpu.memory_space<vmem>>) semaphore(%arg13 : memref<!tpu.dma_semaphore, #tpu.memory_space<semaphore_mem>>)
    %dma_start3A_81 = arith.constant 0 : i32
    %dma_start3A_82 = arith.constant 3584 : i32
    %dma_start3A_83 = tpu.memref_slice %arg8[%dma_start3A_82] : memref<13312xf32, #tpu.memory_space<vmem>> -> memref<3072xf32, #tpu.memory_space<vmem>>
    %dma_start3A_84 = arith.constant 3584 : i32
    %dma_start3A_85 = tpu.memref_slice %arg7[%dma_start3A_84] : memref<13312xi32, #tpu.memory_space<vmem>> -> memref<3072xi32, #tpu.memory_space<vmem>>
    %dma_start3A_86 = arith.constant 0 : i32
    %dma_start3A_87 = tpu.memref_slice %arg12[%dma_start3A_81, %dma_start3A_86] : memref<1x1000000xf32, #tpu.memory_space<vmem_shared>> -> memref<1x1000000xf32, #tpu.memory_space<vmem_shared>>
    %dma_start3A_88 = tpu.memref_squeeze %dma_start3A_87 : memref<1x1000000xf32, #tpu.memory_space<vmem_shared>> -> memref<1000000xf32, #tpu.memory_space<vmem_shared>>
    %dma_start3A_89 = arith.constant 0 : i32
    %dma_start3A_90 = tpu.memref_slice %dma_start3A_88[%dma_start3A_89] : memref<1000000xf32, #tpu.memory_space<vmem_shared>> -> memref<1000000xf32, #tpu.memory_space<vmem_shared>>
    tpu.enqueue_indirect_dma source(%dma_start3A_90 : memref<1000000xf32, #tpu.memory_space<vmem_shared>>) target(%dma_start3A_83 : memref<3072xf32, #tpu.memory_space<vmem>>) offsets(%dma_start3A_85 : memref<3072xi32, #tpu.memory_space<vmem>>) semaphore(%arg13 : memref<!tpu.dma_semaphore, #tpu.memory_space<semaphore_mem>>)
    %dma_start3A_91 = arith.constant 0 : i32
    %dma_start3A_92 = arith.constant 6656 : i32
    %dma_start3A_93 = tpu.memref_slice %arg8[%dma_start3A_92] : memref<13312xf32, #tpu.memory_space<vmem>> -> memref<3584xf32, #tpu.memory_space<vmem>>
    %dma_start3A_94 = arith.constant 6656 : i32
    %dma_start3A_95 = tpu.memref_slice %arg7[%dma_start3A_94] : memref<13312xi32, #tpu.memory_space<vmem>> -> memref<3584xi32, #tpu.memory_space<vmem>>
    %dma_start3A_96 = arith.constant 0 : i32
    %dma_start3A_97 = tpu.memref_slice %arg12[%dma_start3A_91, %dma_start3A_96] : memref<1x1000000xf32, #tpu.memory_space<vmem_shared>> -> memref<1x1000000xf32, #tpu.memory_space<vmem_shared>>
    %dma_start3A_98 = tpu.memref_squeeze %dma_start3A_97 : memref<1x1000000xf32, #tpu.memory_space<vmem_shared>> -> memref<1000000xf32, #tpu.memory_space<vmem_shared>>
    %dma_start3A_99 = arith.constant 0 : i32
    %dma_start3A_100 = tpu.memref_slice %dma_start3A_98[%dma_start3A_99] : memref<1000000xf32, #tpu.memory_space<vmem_shared>> -> memref<1000000xf32, #tpu.memory_space<vmem_shared>>
    tpu.enqueue_indirect_dma source(%dma_start3A_100 : memref<1000000xf32, #tpu.memory_space<vmem_shared>>) target(%dma_start3A_93 : memref<3584xf32, #tpu.memory_space<vmem>>) offsets(%dma_start3A_95 : memref<3584xi32, #tpu.memory_space<vmem>>) semaphore(%arg13 : memref<!tpu.dma_semaphore, #tpu.memory_space<semaphore_mem>>)
    %dma_start3A_101 = arith.constant 0 : i32
    %dma_start3A_102 = arith.constant 10240 : i32
    %dma_start3A_103 = tpu.memref_slice %arg8[%dma_start3A_102] : memref<13312xf32, #tpu.memory_space<vmem>> -> memref<3072xf32, #tpu.memory_space<vmem>>
    %dma_start3A_104 = arith.constant 10240 : i32
    %dma_start3A_105 = tpu.memref_slice %arg7[%dma_start3A_104] : memref<13312xi32, #tpu.memory_space<vmem>> -> memref<3072xi32, #tpu.memory_space<vmem>>
    %dma_start3A_106 = arith.constant 0 : i32
    %dma_start3A_107 = tpu.memref_slice %arg12[%dma_start3A_101, %dma_start3A_106] : memref<1x1000000xf32, #tpu.memory_space<vmem_shared>> -> memref<1x1000000xf32, #tpu.memory_space<vmem_shared>>
    %dma_start3A_108 = tpu.memref_squeeze %dma_start3A_107 : memref<1x1000000xf32, #tpu.memory_space<vmem_shared>> -> memref<1000000xf32, #tpu.memory_space<vmem_shared>>
    %dma_start3A_109 = arith.constant 0 : i32
    %dma_start3A_110 = tpu.memref_slice %dma_start3A_108[%dma_start3A_109] : memref<1000000xf32, #tpu.memory_space<vmem_shared>> -> memref<1000000xf32, #tpu.memory_space<vmem_shared>>
    tpu.enqueue_indirect_dma source(%dma_start3A_110 : memref<1000000xf32, #tpu.memory_space<vmem_shared>>) target(%dma_start3A_103 : memref<3072xf32, #tpu.memory_space<vmem>>) offsets(%dma_start3A_105 : memref<3072xi32, #tpu.memory_space<vmem>>) semaphore(%arg13 : memref<!tpu.dma_semaphore, #tpu.memory_space<semaphore_mem>>)
    %dma_wait3A = arith.constant 0 : i32
    %dma_wait3A_111 = arith.constant 0 : i32
    %dma_wait3A_112 = tpu.memref_slice %arg9[%dma_wait3A, %dma_wait3A_111] : memref<26x512xf32, #tpu.memory_space<vmem>> -> memref<8x512xf32, #tpu.memory_space<vmem>>
    %dma_wait3A_113 = arith.constant 0 : i32
    %dma_wait3A_114 = tpu.memref_slice %arg3[%dma_wait3A_113, %multiple_of3A] : memref<26x16384xf32, #tpu.memory_space<hbm>> -> memref<8x512xf32, #tpu.memory_space<hbm>>
    %dma_wait3A_115 = arith.constant 0 : i32
    %dma_wait3A_116 = arith.constant 0 : i32
    %dma_wait3A_117 = tpu.memref_slice %arg9[%dma_wait3A_115, %dma_wait3A_116] : memref<26x512xf32, #tpu.memory_space<vmem>> -> memref<8x512xf32, #tpu.memory_space<vmem>>
    %dma_wait3A_118 = arith.constant 0 : i32
    %dma_wait3A_119 = tpu.memref_slice %arg3[%dma_wait3A_118, %multiple_of3A] : memref<26x16384xf32, #tpu.memory_space<hbm>> -> memref<8x512xf32, #tpu.memory_space<hbm>>
    tpu.wait_dma2 semaphore(%arg13 : memref<!tpu.dma_semaphore, #tpu.memory_space<semaphore_mem>>) src(%dma_wait3A_119 : memref<8x512xf32, #tpu.memory_space<hbm>>) dst(%dma_wait3A_117 : memref<8x512xf32, #tpu.memory_space<vmem>>)
    %dma_wait3A_120 = arith.constant 8 : i32
    %dma_wait3A_121 = arith.constant 0 : i32
    %dma_wait3A_122 = tpu.memref_slice %arg9[%dma_wait3A_120, %dma_wait3A_121] : memref<26x512xf32, #tpu.memory_space<vmem>> -> memref<8x512xf32, #tpu.memory_space<vmem>>
    %dma_wait3A_123 = arith.constant 8 : i32
    %dma_wait3A_124 = tpu.memref_slice %arg3[%dma_wait3A_123, %multiple_of3A] : memref<26x16384xf32, #tpu.memory_space<hbm>> -> memref<8x512xf32, #tpu.memory_space<hbm>>
    %dma_wait3A_125 = arith.constant 8 : i32
    %dma_wait3A_126 = arith.constant 0 : i32
    %dma_wait3A_127 = tpu.memref_slice %arg9[%dma_wait3A_125, %dma_wait3A_126] : memref<26x512xf32, #tpu.memory_space<vmem>> -> memref<8x512xf32, #tpu.memory_space<vmem>>
    %dma_wait3A_128 = arith.constant 8 : i32
    %dma_wait3A_129 = tpu.memref_slice %arg3[%dma_wait3A_128, %multiple_of3A] : memref<26x16384xf32, #tpu.memory_space<hbm>> -> memref<8x512xf32, #tpu.memory_space<hbm>>
    tpu.wait_dma2 semaphore(%arg13 : memref<!tpu.dma_semaphore, #tpu.memory_space<semaphore_mem>>) src(%dma_wait3A_129 : memref<8x512xf32, #tpu.memory_space<hbm>>) dst(%dma_wait3A_127 : memref<8x512xf32, #tpu.memory_space<vmem>>)
    %dma_wait3A_130 = arith.constant 16 : i32
    %dma_wait3A_131 = arith.constant 0 : i32
    %dma_wait3A_132 = tpu.memref_slice %arg9[%dma_wait3A_130, %dma_wait3A_131] : memref<26x512xf32, #tpu.memory_space<vmem>> -> memref<8x512xf32, #tpu.memory_space<vmem>>
    %dma_wait3A_133 = arith.constant 16 : i32
    %dma_wait3A_134 = tpu.memref_slice %arg3[%dma_wait3A_133, %multiple_of3A] : memref<26x16384xf32, #tpu.memory_space<hbm>> -> memref<8x512xf32, #tpu.memory_space<hbm>>
    %dma_wait3A_135 = arith.constant 16 : i32
    %dma_wait3A_136 = arith.constant 0 : i32
    %dma_wait3A_137 = tpu.memref_slice %arg9[%dma_wait3A_135, %dma_wait3A_136] : memref<26x512xf32, #tpu.memory_space<vmem>> -> memref<8x512xf32, #tpu.memory_space<vmem>>
    %dma_wait3A_138 = arith.constant 16 : i32
    %dma_wait3A_139 = tpu.memref_slice %arg3[%dma_wait3A_138, %multiple_of3A] : memref<26x16384xf32, #tpu.memory_space<hbm>> -> memref<8x512xf32, #tpu.memory_space<hbm>>
    tpu.wait_dma2 semaphore(%arg13 : memref<!tpu.dma_semaphore, #tpu.memory_space<semaphore_mem>>) src(%dma_wait3A_139 : memref<8x512xf32, #tpu.memory_space<hbm>>) dst(%dma_wait3A_137 : memref<8x512xf32, #tpu.memory_space<vmem>>)
    %dma_wait3A_140 = arith.constant 24 : i32
    %dma_wait3A_141 = arith.constant 0 : i32
    %dma_wait3A_142 = tpu.memref_slice %arg9[%dma_wait3A_140, %dma_wait3A_141] : memref<26x512xf32, #tpu.memory_space<vmem>> -> memref<2x512xf32, #tpu.memory_space<vmem>>
    %dma_wait3A_143 = arith.constant 24 : i32
    %dma_wait3A_144 = tpu.memref_slice %arg3[%dma_wait3A_143, %multiple_of3A] : memref<26x16384xf32, #tpu.memory_space<hbm>> -> memref<2x512xf32, #tpu.memory_space<hbm>>
    %dma_wait3A_145 = arith.constant 24 : i32
    %dma_wait3A_146 = arith.constant 0 : i32
    %dma_wait3A_147 = tpu.memref_slice %arg9[%dma_wait3A_145, %dma_wait3A_146] : memref<26x512xf32, #tpu.memory_space<vmem>> -> memref<2x512xf32, #tpu.memory_space<vmem>>
    %dma_wait3A_148 = arith.constant 24 : i32
    %dma_wait3A_149 = tpu.memref_slice %arg3[%dma_wait3A_148, %multiple_of3A] : memref<26x16384xf32, #tpu.memory_space<hbm>> -> memref<2x512xf32, #tpu.memory_space<hbm>>
    tpu.wait_dma2 semaphore(%arg13 : memref<!tpu.dma_semaphore, #tpu.memory_space<semaphore_mem>>) src(%dma_wait3A_149 : memref<2x512xf32, #tpu.memory_space<hbm>>) dst(%dma_wait3A_147 : memref<2x512xf32, #tpu.memory_space<vmem>>)
    %broadcast_in_dim3A = arith.constant 0 : i32
    %broadcast_in_dim3A_150 = vector.broadcast %broadcast_in_dim3A : i32 to vector<16xi32>
    %gather3A = tpu.vector_load_idx %arg11[%broadcast_in_dim3A_150] : memref<1xf32, #tpu.memory_space<vmem>>[vector<16xi32>], vector<16xf32>,
    %dma_wait3A_151 = arith.constant 0 : i32
    %dma_wait3A_152 = arith.constant 0 : i32
    %dma_wait3A_153 = tpu.memref_slice %arg8[%dma_wait3A_152] : memref<13312xf32, #tpu.memory_space<vmem>> -> memref<3584xf32, #tpu.memory_space<vmem>>
    %dma_wait3A_154 = arith.constant 0 : i32
    %dma_wait3A_155 = tpu.memref_slice %arg7[%dma_wait3A_154] : memref<13312xi32, #tpu.memory_space<vmem>> -> memref<3584xi32, #tpu.memory_space<vmem>>
    %dma_wait3A_156 = arith.constant 0 : i32
    %dma_wait3A_157 = tpu.memref_slice %arg12[%dma_wait3A_151, %dma_wait3A_156] : memref<1x1000000xf32, #tpu.memory_space<vmem_shared>> -> memref<1x1000000xf32, #tpu.memory_space<vmem_shared>>
    %dma_wait3A_158 = tpu.memref_squeeze %dma_wait3A_157 : memref<1x1000000xf32, #tpu.memory_space<vmem_shared>> -> memref<1000000xf32, #tpu.memory_space<vmem_shared>>
    %dma_wait3A_159 = arith.constant 0 : i32
    %dma_wait3A_160 = tpu.memref_slice %dma_wait3A_158[%dma_wait3A_159] : memref<1000000xf32, #tpu.memory_space<vmem_shared>> -> memref<1000000xf32, #tpu.memory_space<vmem_shared>>
    tpu.wait_indirect_dma semaphore(%arg13 : memref<!tpu.dma_semaphore, #tpu.memory_space<semaphore_mem>>) src(%dma_wait3A_160 : memref<1000000xf32, #tpu.memory_space<vmem_shared>>) dst(%dma_wait3A_153 : memref<3584xf32, #tpu.memory_space<vmem>>)
    %scan3A_161 = arith.constant 0 : i32
    %scan3A_162 = arith.constant 0 : i32
    %scan3A_163 = arith.constant 32 : i32
    %scan3A_164 = arith.addi %scan3A_162, %scan3A_163 : i32
    %scan3A_165 = arith.constant 1 : i32
    scf.for %scan3A_215 = %scan3A_162 to %scan3A_164 step %scan3A_165  : i32 {
      %mul3A_216 = arith.constant 16 : i32
      %mul3A_217 = arith.muli %scan3A_215, %mul3A_216 : i32
      %add3A_218 = arith.constant 0 : i32
      %add3A_219 = arith.addi %add3A_218, %mul3A_217 : i32
      %get3A = arith.index_cast %add3A_219 : i32 to index
      %get3A_220 = tpu.vector_load %arg8[%get3A] {strides = array<i32>} : memref<13312xf32, #tpu.memory_space<vmem>>, vector<16xf32>,
      %get3A_221 = arith.constant 0 : i32
      %get3A_222 = arith.index_cast %get3A_221 : i32 to index
      %get3A_223 = arith.index_cast %mul3A_217 : i32 to index
      %get3A_224 = tpu.vector_load %arg9[%get3A_222, %get3A_223] {strides = array<i32>} : memref<26x512xf32, #tpu.memory_space<vmem>>, vector<16xf32>,
      %mul3A_225 = arith.mulf %get3A_220, %get3A_224 : vector<16xf32>
      %add3A_226 = arith.addf %gather3A, %mul3A_225 : vector<16xf32>
      %add3A_227 = arith.constant 512 : i32
      %add3A_228 = arith.addi %add3A_227, %mul3A_217 : i32
      %get3A_229 = arith.index_cast %add3A_228 : i32 to index
      %get3A_230 = tpu.vector_load %arg8[%get3A_229] {strides = array<i32>} : memref<13312xf32, #tpu.memory_space<vmem>>, vector<16xf32>,
      %get3A_231 = arith.constant 1 : i32
      %get3A_232 = arith.index_cast %get3A_231 : i32 to index
      %get3A_233 = arith.index_cast %mul3A_217 : i32 to index
      %get3A_234 = tpu.vector_load %arg9[%get3A_232, %get3A_233] {strides = array<i32>} : memref<26x512xf32, #tpu.memory_space<vmem>>, vector<16xf32>,
      %mul3A_235 = arith.mulf %get3A_230, %get3A_234 : vector<16xf32>
      %add3A_236 = arith.addf %add3A_226, %mul3A_235 : vector<16xf32>
      %add3A_237 = arith.constant 1024 : i32
      %add3A_238 = arith.addi %add3A_237, %mul3A_217 : i32
      %get3A_239 = arith.index_cast %add3A_238 : i32 to index
      %get3A_240 = tpu.vector_load %arg8[%get3A_239] {strides = array<i32>} : memref<13312xf32, #tpu.memory_space<vmem>>, vector<16xf32>,
      %get3A_241 = arith.constant 2 : i32
      %get3A_242 = arith.index_cast %get3A_241 : i32 to index
      %get3A_243 = arith.index_cast %mul3A_217 : i32 to index
      %get3A_244 = tpu.vector_load %arg9[%get3A_242, %get3A_243] {strides = array<i32>} : memref<26x512xf32, #tpu.memory_space<vmem>>, vector<16xf32>,
      %mul3A_245 = arith.mulf %get3A_240, %get3A_244 : vector<16xf32>
      %add3A_246 = arith.addf %add3A_236, %mul3A_245 : vector<16xf32>
      %add3A_247 = arith.constant 1536 : i32
      %add3A_248 = arith.addi %add3A_247, %mul3A_217 : i32
      %get3A_249 = arith.index_cast %add3A_248 : i32 to index
      %get3A_250 = tpu.vector_load %arg8[%get3A_249] {strides = array<i32>} : memref<13312xf32, #tpu.memory_space<vmem>>, vector<16xf32>,
      %get3A_251 = arith.constant 3 : i32
      %get3A_252 = arith.index_cast %get3A_251 : i32 to index
      %get3A_253 = arith.index_cast %mul3A_217 : i32 to index
      %get3A_254 = tpu.vector_load %arg9[%get3A_252, %get3A_253] {strides = array<i32>} : memref<26x512xf32, #tpu.memory_space<vmem>>, vector<16xf32>,
      %mul3A_255 = arith.mulf %get3A_250, %get3A_254 : vector<16xf32>
      %add3A_256 = arith.addf %add3A_246, %mul3A_255 : vector<16xf32>
      %add3A_257 = arith.constant 2048 : i32
      %add3A_258 = arith.addi %add3A_257, %mul3A_217 : i32
      %get3A_259 = arith.index_cast %add3A_258 : i32 to index
      %get3A_260 = tpu.vector_load %arg8[%get3A_259] {strides = array<i32>} : memref<13312xf32, #tpu.memory_space<vmem>>, vector<16xf32>,
      %get3A_261 = arith.constant 4 : i32
      %get3A_262 = arith.index_cast %get3A_261 : i32 to index
      %get3A_263 = arith.index_cast %mul3A_217 : i32 to index
      %get3A_264 = tpu.vector_load %arg9[%get3A_262, %get3A_263] {strides = array<i32>} : memref<26x512xf32, #tpu.memory_space<vmem>>, vector<16xf32>,
      %mul3A_265 = arith.mulf %get3A_260, %get3A_264 : vector<16xf32>
      %add3A_266 = arith.addf %add3A_256, %mul3A_265 : vector<16xf32>
      %add3A_267 = arith.constant 2560 : i32
      %add3A_268 = arith.addi %add3A_267, %mul3A_217 : i32
      %get3A_269 = arith.index_cast %add3A_268 : i32 to index
      %get3A_270 = tpu.vector_load %arg8[%get3A_269] {strides = array<i32>} : memref<13312xf32, #tpu.memory_space<vmem>>, vector<16xf32>,
      %get3A_271 = arith.constant 5 : i32
      %get3A_272 = arith.index_cast %get3A_271 : i32 to index
      %get3A_273 = arith.index_cast %mul3A_217 : i32 to index
      %get3A_274 = tpu.vector_load %arg9[%get3A_272, %get3A_273] {strides = array<i32>} : memref<26x512xf32, #tpu.memory_space<vmem>>, vector<16xf32>,
      %mul3A_275 = arith.mulf %get3A_270, %get3A_274 : vector<16xf32>
      %add3A_276 = arith.addf %add3A_266, %mul3A_275 : vector<16xf32>
      %add3A_277 = arith.constant 3072 : i32
      %add3A_278 = arith.addi %add3A_277, %mul3A_217 : i32
      %get3A_279 = arith.index_cast %add3A_278 : i32 to index
      %get3A_280 = tpu.vector_load %arg8[%get3A_279] {strides = array<i32>} : memref<13312xf32, #tpu.memory_space<vmem>>, vector<16xf32>,
      %get3A_281 = arith.constant 6 : i32
      %get3A_282 = arith.index_cast %get3A_281 : i32 to index
      %get3A_283 = arith.index_cast %mul3A_217 : i32 to index
      %get3A_284 = tpu.vector_load %arg9[%get3A_282, %get3A_283] {strides = array<i32>} : memref<26x512xf32, #tpu.memory_space<vmem>>, vector<16xf32>,
      %mul3A_285 = arith.mulf %get3A_280, %get3A_284 : vector<16xf32>
      %add3A_286 = arith.addf %add3A_276, %mul3A_285 : vector<16xf32>
      %swap3A = arith.index_cast %mul3A_217 : i32 to index
      %swap3A_287 = tpu.vector_load %arg10[%swap3A] {strides = array<i32>} : memref<512xf32, #tpu.memory_space<vmem>>, vector<16xf32>,
      tpu.vector_store %arg10[%swap3A], %add3A_286 {strides = array<i32>} : memref<512xf32, #tpu.memory_space<vmem>>, vector<16xf32>,
    }
    %scan3A_166 = arith.constant 32 : i32
    %dma_wait3A_167 = arith.constant 0 : i32
    %dma_wait3A_168 = arith.constant 3584 : i32
    %dma_wait3A_169 = tpu.memref_slice %arg8[%dma_wait3A_168] : memref<13312xf32, #tpu.memory_space<vmem>> -> memref<3072xf32, #tpu.memory_space<vmem>>
    %dma_wait3A_170 = arith.constant 3584 : i32
    %dma_wait3A_171 = tpu.memref_slice %arg7[%dma_wait3A_170] : memref<13312xi32, #tpu.memory_space<vmem>> -> memref<3072xi32, #tpu.memory_space<vmem>>
    %dma_wait3A_172 = arith.constant 0 : i32
    %dma_wait3A_173 = tpu.memref_slice %arg12[%dma_wait3A_167, %dma_wait3A_172] : memref<1x1000000xf32, #tpu.memory_space<vmem_shared>> -> memref<1x1000000xf32, #tpu.memory_space<vmem_shared>>
    %dma_wait3A_174 = tpu.memref_squeeze %dma_wait3A_173 : memref<1x1000000xf32, #tpu.memory_space<vmem_shared>> -> memref<1000000xf32, #tpu.memory_space<vmem_shared>>
    %dma_wait3A_175 = arith.constant 0 : i32
    %dma_wait3A_176 = tpu.memref_slice %dma_wait3A_174[%dma_wait3A_175] : memref<1000000xf32, #tpu.memory_space<vmem_shared>> -> memref<1000000xf32, #tpu.memory_space<vmem_shared>>
    tpu.wait_indirect_dma semaphore(%arg13 : memref<!tpu.dma_semaphore, #tpu.memory_space<semaphore_mem>>) src(%dma_wait3A_176 : memref<1000000xf32, #tpu.memory_space<vmem_shared>>) dst(%dma_wait3A_169 : memref<3072xf32, #tpu.memory_space<vmem>>)
    %scan3A_177 = arith.constant 0 : i32
    %scan3A_178 = arith.constant 0 : i32
    %scan3A_179 = arith.constant 32 : i32
    %scan3A_180 = arith.addi %scan3A_178, %scan3A_179 : i32
    %scan3A_181 = arith.constant 1 : i32
    scf.for %scan3A_215 = %scan3A_178 to %scan3A_180 step %scan3A_181  : i32 {
      %mul3A_216 = arith.constant 16 : i32
      %mul3A_217 = arith.muli %scan3A_215, %mul3A_216 : i32
      %get3A = arith.index_cast %mul3A_217 : i32 to index
      %get3A_218 = tpu.vector_load %arg10[%get3A] {strides = array<i32>} : memref<512xf32, #tpu.memory_space<vmem>>, vector<16xf32>,
      %add3A_219 = arith.constant 3584 : i32
      %add3A_220 = arith.addi %add3A_219, %mul3A_217 : i32
      %get3A_221 = arith.index_cast %add3A_220 : i32 to index
      %get3A_222 = tpu.vector_load %arg8[%get3A_221] {strides = array<i32>} : memref<13312xf32, #tpu.memory_space<vmem>>, vector<16xf32>,
      %get3A_223 = arith.constant 7 : i32
      %get3A_224 = arith.index_cast %get3A_223 : i32 to index
      %get3A_225 = arith.index_cast %mul3A_217 : i32 to index
      %get3A_226 = tpu.vector_load %arg9[%get3A_224, %get3A_225] {strides = array<i32>} : memref<26x512xf32, #tpu.memory_space<vmem>>, vector<16xf32>,
      %mul3A_227 = arith.mulf %get3A_222, %get3A_226 : vector<16xf32>
      %add3A_228 = arith.addf %get3A_218, %mul3A_227 : vector<16xf32>
      %add3A_229 = arith.constant 4096 : i32
      %add3A_230 = arith.addi %add3A_229, %mul3A_217 : i32
      %get3A_231 = arith.index_cast %add3A_230 : i32 to index
      %get3A_232 = tpu.vector_load %arg8[%get3A_231] {strides = array<i32>} : memref<13312xf32, #tpu.memory_space<vmem>>, vector<16xf32>,
      %get3A_233 = arith.constant 8 : i32
      %get3A_234 = arith.index_cast %get3A_233 : i32 to index
      %get3A_235 = arith.index_cast %mul3A_217 : i32 to index
      %get3A_236 = tpu.vector_load %arg9[%get3A_234, %get3A_235] {strides = array<i32>} : memref<26x512xf32, #tpu.memory_space<vmem>>, vector<16xf32>,
      %mul3A_237 = arith.mulf %get3A_232, %get3A_236 : vector<16xf32>
      %add3A_238 = arith.addf %add3A_228, %mul3A_237 : vector<16xf32>
      %add3A_239 = arith.constant 4608 : i32
      %add3A_240 = arith.addi %add3A_239, %mul3A_217 : i32
      %get3A_241 = arith.index_cast %add3A_240 : i32 to index
      %get3A_242 = tpu.vector_load %arg8[%get3A_241] {strides = array<i32>} : memref<13312xf32, #tpu.memory_space<vmem>>, vector<16xf32>,
      %get3A_243 = arith.constant 9 : i32
      %get3A_244 = arith.index_cast %get3A_243 : i32 to index
      %get3A_245 = arith.index_cast %mul3A_217 : i32 to index
      %get3A_246 = tpu.vector_load %arg9[%get3A_244, %get3A_245] {strides = array<i32>} : memref<26x512xf32, #tpu.memory_space<vmem>>, vector<16xf32>,
      %mul3A_247 = arith.mulf %get3A_242, %get3A_246 : vector<16xf32>
      %add3A_248 = arith.addf %add3A_238, %mul3A_247 : vector<16xf32>
      %add3A_249 = arith.constant 5120 : i32
      %add3A_250 = arith.addi %add3A_249, %mul3A_217 : i32
      %get3A_251 = arith.index_cast %add3A_250 : i32 to index
      %get3A_252 = tpu.vector_load %arg8[%get3A_251] {strides = array<i32>} : memref<13312xf32, #tpu.memory_space<vmem>>, vector<16xf32>,
      %get3A_253 = arith.constant 10 : i32
      %get3A_254 = arith.index_cast %get3A_253 : i32 to index
      %get3A_255 = arith.index_cast %mul3A_217 : i32 to index
      %get3A_256 = tpu.vector_load %arg9[%get3A_254, %get3A_255] {strides = array<i32>} : memref<26x512xf32, #tpu.memory_space<vmem>>, vector<16xf32>,
      %mul3A_257 = arith.mulf %get3A_252, %get3A_256 : vector<16xf32>
      %add3A_258 = arith.addf %add3A_248, %mul3A_257 : vector<16xf32>
      %add3A_259 = arith.constant 5632 : i32
      %add3A_260 = arith.addi %add3A_259, %mul3A_217 : i32
      %get3A_261 = arith.index_cast %add3A_260 : i32 to index
      %get3A_262 = tpu.vector_load %arg8[%get3A_261] {strides = array<i32>} : memref<13312xf32, #tpu.memory_space<vmem>>, vector<16xf32>,
      %get3A_263 = arith.constant 11 : i32
      %get3A_264 = arith.index_cast %get3A_263 : i32 to index
      %get3A_265 = arith.index_cast %mul3A_217 : i32 to index
      %get3A_266 = tpu.vector_load %arg9[%get3A_264, %get3A_265] {strides = array<i32>} : memref<26x512xf32, #tpu.memory_space<vmem>>, vector<16xf32>,
      %mul3A_267 = arith.mulf %get3A_262, %get3A_266 : vector<16xf32>
      %add3A_268 = arith.addf %add3A_258, %mul3A_267 : vector<16xf32>
      %add3A_269 = arith.constant 6144 : i32
      %add3A_270 = arith.addi %add3A_269, %mul3A_217 : i32
      %get3A_271 = arith.index_cast %add3A_270 : i32 to index
      %get3A_272 = tpu.vector_load %arg8[%get3A_271] {strides = array<i32>} : memref<13312xf32, #tpu.memory_space<vmem>>, vector<16xf32>,
      %get3A_273 = arith.constant 12 : i32
      %get3A_274 = arith.index_cast %get3A_273 : i32 to index
      %get3A_275 = arith.index_cast %mul3A_217 : i32 to index
      %get3A_276 = tpu.vector_load %arg9[%get3A_274, %get3A_275] {strides = array<i32>} : memref<26x512xf32, #tpu.memory_space<vmem>>, vector<16xf32>,
      %mul3A_277 = arith.mulf %get3A_272, %get3A_276 : vector<16xf32>
      %add3A_278 = arith.addf %add3A_268, %mul3A_277 : vector<16xf32>
      %swap3A = arith.index_cast %mul3A_217 : i32 to index
      %swap3A_279 = tpu.vector_load %arg10[%swap3A] {strides = array<i32>} : memref<512xf32, #tpu.memory_space<vmem>>, vector<16xf32>,
      tpu.vector_store %arg10[%swap3A], %add3A_278 {strides = array<i32>} : memref<512xf32, #tpu.memory_space<vmem>>, vector<16xf32>,
    }
    %scan3A_182 = arith.constant 32 : i32
    %dma_wait3A_183 = arith.constant 0 : i32
    %dma_wait3A_184 = arith.constant 6656 : i32
    %dma_wait3A_185 = tpu.memref_slice %arg8[%dma_wait3A_184] : memref<13312xf32, #tpu.memory_space<vmem>> -> memref<3584xf32, #tpu.memory_space<vmem>>
    %dma_wait3A_186 = arith.constant 6656 : i32
    %dma_wait3A_187 = tpu.memref_slice %arg7[%dma_wait3A_186] : memref<13312xi32, #tpu.memory_space<vmem>> -> memref<3584xi32, #tpu.memory_space<vmem>>
    %dma_wait3A_188 = arith.constant 0 : i32
    %dma_wait3A_189 = tpu.memref_slice %arg12[%dma_wait3A_183, %dma_wait3A_188] : memref<1x1000000xf32, #tpu.memory_space<vmem_shared>> -> memref<1x1000000xf32, #tpu.memory_space<vmem_shared>>
    %dma_wait3A_190 = tpu.memref_squeeze %dma_wait3A_189 : memref<1x1000000xf32, #tpu.memory_space<vmem_shared>> -> memref<1000000xf32, #tpu.memory_space<vmem_shared>>
    %dma_wait3A_191 = arith.constant 0 : i32
    %dma_wait3A_192 = tpu.memref_slice %dma_wait3A_190[%dma_wait3A_191] : memref<1000000xf32, #tpu.memory_space<vmem_shared>> -> memref<1000000xf32, #tpu.memory_space<vmem_shared>>
    tpu.wait_indirect_dma semaphore(%arg13 : memref<!tpu.dma_semaphore, #tpu.memory_space<semaphore_mem>>) src(%dma_wait3A_192 : memref<1000000xf32, #tpu.memory_space<vmem_shared>>) dst(%dma_wait3A_185 : memref<3584xf32, #tpu.memory_space<vmem>>)
    %scan3A_193 = arith.constant 0 : i32
    %scan3A_194 = arith.constant 0 : i32
    %scan3A_195 = arith.constant 32 : i32
    %scan3A_196 = arith.addi %scan3A_194, %scan3A_195 : i32
    %scan3A_197 = arith.constant 1 : i32
    scf.for %scan3A_215 = %scan3A_194 to %scan3A_196 step %scan3A_197  : i32 {
      %mul3A_216 = arith.constant 16 : i32
      %mul3A_217 = arith.muli %scan3A_215, %mul3A_216 : i32
      %get3A = arith.index_cast %mul3A_217 : i32 to index
      %get3A_218 = tpu.vector_load %arg10[%get3A] {strides = array<i32>} : memref<512xf32, #tpu.memory_space<vmem>>, vector<16xf32>,
      %add3A_219 = arith.constant 6656 : i32
      %add3A_220 = arith.addi %add3A_219, %mul3A_217 : i32
      %get3A_221 = arith.index_cast %add3A_220 : i32 to index
      %get3A_222 = tpu.vector_load %arg8[%get3A_221] {strides = array<i32>} : memref<13312xf32, #tpu.memory_space<vmem>>, vector<16xf32>,
      %get3A_223 = arith.constant 13 : i32
      %get3A_224 = arith.index_cast %get3A_223 : i32 to index
      %get3A_225 = arith.index_cast %mul3A_217 : i32 to index
      %get3A_226 = tpu.vector_load %arg9[%get3A_224, %get3A_225] {strides = array<i32>} : memref<26x512xf32, #tpu.memory_space<vmem>>, vector<16xf32>,
      %mul3A_227 = arith.mulf %get3A_222, %get3A_226 : vector<16xf32>
      %add3A_228 = arith.addf %get3A_218, %mul3A_227 : vector<16xf32>
      %add3A_229 = arith.constant 7168 : i32
      %add3A_230 = arith.addi %add3A_229, %mul3A_217 : i32
      %get3A_231 = arith.index_cast %add3A_230 : i32 to index
      %get3A_232 = tpu.vector_load %arg8[%get3A_231] {strides = array<i32>} : memref<13312xf32, #tpu.memory_space<vmem>>, vector<16xf32>,
      %get3A_233 = arith.constant 14 : i32
      %get3A_234 = arith.index_cast %get3A_233 : i32 to index
      %get3A_235 = arith.index_cast %mul3A_217 : i32 to index
      %get3A_236 = tpu.vector_load %arg9[%get3A_234, %get3A_235] {strides = array<i32>} : memref<26x512xf32, #tpu.memory_space<vmem>>, vector<16xf32>,
      %mul3A_237 = arith.mulf %get3A_232, %get3A_236 : vector<16xf32>
      %add3A_238 = arith.addf %add3A_228, %mul3A_237 : vector<16xf32>
      %add3A_239 = arith.constant 7680 : i32
      %add3A_240 = arith.addi %add3A_239, %mul3A_217 : i32
      %get3A_241 = arith.index_cast %add3A_240 : i32 to index
      %get3A_242 = tpu.vector_load %arg8[%get3A_241] {strides = array<i32>} : memref<13312xf32, #tpu.memory_space<vmem>>, vector<16xf32>,
      %get3A_243 = arith.constant 15 : i32
      %get3A_244 = arith.index_cast %get3A_243 : i32 to index
      %get3A_245 = arith.index_cast %mul3A_217 : i32 to index
      %get3A_246 = tpu.vector_load %arg9[%get3A_244, %get3A_245] {strides = array<i32>} : memref<26x512xf32, #tpu.memory_space<vmem>>, vector<16xf32>,
      %mul3A_247 = arith.mulf %get3A_242, %get3A_246 : vector<16xf32>
      %add3A_248 = arith.addf %add3A_238, %mul3A_247 : vector<16xf32>
      %add3A_249 = arith.constant 8192 : i32
      %add3A_250 = arith.addi %add3A_249, %mul3A_217 : i32
      %get3A_251 = arith.index_cast %add3A_250 : i32 to index
      %get3A_252 = tpu.vector_load %arg8[%get3A_251] {strides = array<i32>} : memref<13312xf32, #tpu.memory_space<vmem>>, vector<16xf32>,
      %get3A_253 = arith.constant 16 : i32
      %get3A_254 = arith.index_cast %get3A_253 : i32 to index
      %get3A_255 = arith.index_cast %mul3A_217 : i32 to index
      %get3A_256 = tpu.vector_load %arg9[%get3A_254, %get3A_255] {strides = array<i32>} : memref<26x512xf32, #tpu.memory_space<vmem>>, vector<16xf32>,
      %mul3A_257 = arith.mulf %get3A_252, %get3A_256 : vector<16xf32>
      %add3A_258 = arith.addf %add3A_248, %mul3A_257 : vector<16xf32>
      %add3A_259 = arith.constant 8704 : i32
      %add3A_260 = arith.addi %add3A_259, %mul3A_217 : i32
      %get3A_261 = arith.index_cast %add3A_260 : i32 to index
      %get3A_262 = tpu.vector_load %arg8[%get3A_261] {strides = array<i32>} : memref<13312xf32, #tpu.memory_space<vmem>>, vector<16xf32>,
      %get3A_263 = arith.constant 17 : i32
      %get3A_264 = arith.index_cast %get3A_263 : i32 to index
      %get3A_265 = arith.index_cast %mul3A_217 : i32 to index
      %get3A_266 = tpu.vector_load %arg9[%get3A_264, %get3A_265] {strides = array<i32>} : memref<26x512xf32, #tpu.memory_space<vmem>>, vector<16xf32>,
      %mul3A_267 = arith.mulf %get3A_262, %get3A_266 : vector<16xf32>
      %add3A_268 = arith.addf %add3A_258, %mul3A_267 : vector<16xf32>
      %add3A_269 = arith.constant 9216 : i32
      %add3A_270 = arith.addi %add3A_269, %mul3A_217 : i32
      %get3A_271 = arith.index_cast %add3A_270 : i32 to index
      %get3A_272 = tpu.vector_load %arg8[%get3A_271] {strides = array<i32>} : memref<13312xf32, #tpu.memory_space<vmem>>, vector<16xf32>,
      %get3A_273 = arith.constant 18 : i32
      %get3A_274 = arith.index_cast %get3A_273 : i32 to index
      %get3A_275 = arith.index_cast %mul3A_217 : i32 to index
      %get3A_276 = tpu.vector_load %arg9[%get3A_274, %get3A_275] {strides = array<i32>} : memref<26x512xf32, #tpu.memory_space<vmem>>, vector<16xf32>,
      %mul3A_277 = arith.mulf %get3A_272, %get3A_276 : vector<16xf32>
      %add3A_278 = arith.addf %add3A_268, %mul3A_277 : vector<16xf32>
      %add3A_279 = arith.constant 9728 : i32
      %add3A_280 = arith.addi %add3A_279, %mul3A_217 : i32
      %get3A_281 = arith.index_cast %add3A_280 : i32 to index
      %get3A_282 = tpu.vector_load %arg8[%get3A_281] {strides = array<i32>} : memref<13312xf32, #tpu.memory_space<vmem>>, vector<16xf32>,
      %get3A_283 = arith.constant 19 : i32
      %get3A_284 = arith.index_cast %get3A_283 : i32 to index
      %get3A_285 = arith.index_cast %mul3A_217 : i32 to index
      %get3A_286 = tpu.vector_load %arg9[%get3A_284, %get3A_285] {strides = array<i32>} : memref<26x512xf32, #tpu.memory_space<vmem>>, vector<16xf32>,
      %mul3A_287 = arith.mulf %get3A_282, %get3A_286 : vector<16xf32>
      %add3A_288 = arith.addf %add3A_278, %mul3A_287 : vector<16xf32>
      %swap3A = arith.index_cast %mul3A_217 : i32 to index
      %swap3A_289 = tpu.vector_load %arg10[%swap3A] {strides = array<i32>} : memref<512xf32, #tpu.memory_space<vmem>>, vector<16xf32>,
      tpu.vector_store %arg10[%swap3A], %add3A_288 {strides = array<i32>} : memref<512xf32, #tpu.memory_space<vmem>>, vector<16xf32>,
    }
    %scan3A_198 = arith.constant 32 : i32
    %dma_wait3A_199 = arith.constant 0 : i32
    %dma_wait3A_200 = arith.constant 10240 : i32
    %dma_wait3A_201 = tpu.memref_slice %arg8[%dma_wait3A_200] : memref<13312xf32, #tpu.memory_space<vmem>> -> memref<3072xf32, #tpu.memory_space<vmem>>
    %dma_wait3A_202 = arith.constant 10240 : i32
    %dma_wait3A_203 = tpu.memref_slice %arg7[%dma_wait3A_202] : memref<13312xi32, #tpu.memory_space<vmem>> -> memref<3072xi32, #tpu.memory_space<vmem>>
    %dma_wait3A_204 = arith.constant 0 : i32
    %dma_wait3A_205 = tpu.memref_slice %arg12[%dma_wait3A_199, %dma_wait3A_204] : memref<1x1000000xf32, #tpu.memory_space<vmem_shared>> -> memref<1x1000000xf32, #tpu.memory_space<vmem_shared>>
    %dma_wait3A_206 = tpu.memref_squeeze %dma_wait3A_205 : memref<1x1000000xf32, #tpu.memory_space<vmem_shared>> -> memref<1000000xf32, #tpu.memory_space<vmem_shared>>
    %dma_wait3A_207 = arith.constant 0 : i32
    %dma_wait3A_208 = tpu.memref_slice %dma_wait3A_206[%dma_wait3A_207] : memref<1000000xf32, #tpu.memory_space<vmem_shared>> -> memref<1000000xf32, #tpu.memory_space<vmem_shared>>
    tpu.wait_indirect_dma semaphore(%arg13 : memref<!tpu.dma_semaphore, #tpu.memory_space<semaphore_mem>>) src(%dma_wait3A_208 : memref<1000000xf32, #tpu.memory_space<vmem_shared>>) dst(%dma_wait3A_201 : memref<3072xf32, #tpu.memory_space<vmem>>)
    %scan3A_209 = arith.constant 0 : i32
    %scan3A_210 = arith.constant 0 : i32
    %scan3A_211 = arith.constant 32 : i32
    %scan3A_212 = arith.addi %scan3A_210, %scan3A_211 : i32
    %scan3A_213 = arith.constant 1 : i32
    scf.for %scan3A_215 = %scan3A_210 to %scan3A_212 step %scan3A_213  : i32 {
      %mul3A_216 = arith.constant 16 : i32
      %mul3A_217 = arith.muli %scan3A_215, %mul3A_216 : i32
      %get3A = arith.index_cast %mul3A_217 : i32 to index
      %get3A_218 = tpu.vector_load %arg10[%get3A] {strides = array<i32>} : memref<512xf32, #tpu.memory_space<vmem>>, vector<16xf32>,
      %add3A_219 = arith.constant 10240 : i32
      %add3A_220 = arith.addi %add3A_219, %mul3A_217 : i32
      %get3A_221 = arith.index_cast %add3A_220 : i32 to index
      %get3A_222 = tpu.vector_load %arg8[%get3A_221] {strides = array<i32>} : memref<13312xf32, #tpu.memory_space<vmem>>, vector<16xf32>,
      %get3A_223 = arith.constant 20 : i32
      %get3A_224 = arith.index_cast %get3A_223 : i32 to index
      %get3A_225 = arith.index_cast %mul3A_217 : i32 to index
      %get3A_226 = tpu.vector_load %arg9[%get3A_224, %get3A_225] {strides = array<i32>} : memref<26x512xf32, #tpu.memory_space<vmem>>, vector<16xf32>,
      %mul3A_227 = arith.mulf %get3A_222, %get3A_226 : vector<16xf32>
      %add3A_228 = arith.addf %get3A_218, %mul3A_227 : vector<16xf32>
      %add3A_229 = arith.constant 10752 : i32
      %add3A_230 = arith.addi %add3A_229, %mul3A_217 : i32
      %get3A_231 = arith.index_cast %add3A_230 : i32 to index
      %get3A_232 = tpu.vector_load %arg8[%get3A_231] {strides = array<i32>} : memref<13312xf32, #tpu.memory_space<vmem>>, vector<16xf32>,
      %get3A_233 = arith.constant 21 : i32
      %get3A_234 = arith.index_cast %get3A_233 : i32 to index
      %get3A_235 = arith.index_cast %mul3A_217 : i32 to index
      %get3A_236 = tpu.vector_load %arg9[%get3A_234, %get3A_235] {strides = array<i32>} : memref<26x512xf32, #tpu.memory_space<vmem>>, vector<16xf32>,
      %mul3A_237 = arith.mulf %get3A_232, %get3A_236 : vector<16xf32>
      %add3A_238 = arith.addf %add3A_228, %mul3A_237 : vector<16xf32>
      %add3A_239 = arith.constant 11264 : i32
      %add3A_240 = arith.addi %add3A_239, %mul3A_217 : i32
      %get3A_241 = arith.index_cast %add3A_240 : i32 to index
      %get3A_242 = tpu.vector_load %arg8[%get3A_241] {strides = array<i32>} : memref<13312xf32, #tpu.memory_space<vmem>>, vector<16xf32>,
      %get3A_243 = arith.constant 22 : i32
      %get3A_244 = arith.index_cast %get3A_243 : i32 to index
      %get3A_245 = arith.index_cast %mul3A_217 : i32 to index
      %get3A_246 = tpu.vector_load %arg9[%get3A_244, %get3A_245] {strides = array<i32>} : memref<26x512xf32, #tpu.memory_space<vmem>>, vector<16xf32>,
      %mul3A_247 = arith.mulf %get3A_242, %get3A_246 : vector<16xf32>
      %add3A_248 = arith.addf %add3A_238, %mul3A_247 : vector<16xf32>
      %add3A_249 = arith.constant 11776 : i32
      %add3A_250 = arith.addi %add3A_249, %mul3A_217 : i32
      %get3A_251 = arith.index_cast %add3A_250 : i32 to index
      %get3A_252 = tpu.vector_load %arg8[%get3A_251] {strides = array<i32>} : memref<13312xf32, #tpu.memory_space<vmem>>, vector<16xf32>,
      %get3A_253 = arith.constant 23 : i32
      %get3A_254 = arith.index_cast %get3A_253 : i32 to index
      %get3A_255 = arith.index_cast %mul3A_217 : i32 to index
      %get3A_256 = tpu.vector_load %arg9[%get3A_254, %get3A_255] {strides = array<i32>} : memref<26x512xf32, #tpu.memory_space<vmem>>, vector<16xf32>,
      %mul3A_257 = arith.mulf %get3A_252, %get3A_256 : vector<16xf32>
      %add3A_258 = arith.addf %add3A_248, %mul3A_257 : vector<16xf32>
      %add3A_259 = arith.constant 12288 : i32
      %add3A_260 = arith.addi %add3A_259, %mul3A_217 : i32
      %get3A_261 = arith.index_cast %add3A_260 : i32 to index
      %get3A_262 = tpu.vector_load %arg8[%get3A_261] {strides = array<i32>} : memref<13312xf32, #tpu.memory_space<vmem>>, vector<16xf32>,
      %get3A_263 = arith.constant 24 : i32
      %get3A_264 = arith.index_cast %get3A_263 : i32 to index
      %get3A_265 = arith.index_cast %mul3A_217 : i32 to index
      %get3A_266 = tpu.vector_load %arg9[%get3A_264, %get3A_265] {strides = array<i32>} : memref<26x512xf32, #tpu.memory_space<vmem>>, vector<16xf32>,
      %mul3A_267 = arith.mulf %get3A_262, %get3A_266 : vector<16xf32>
      %add3A_268 = arith.addf %add3A_258, %mul3A_267 : vector<16xf32>
      %add3A_269 = arith.constant 12800 : i32
      %add3A_270 = arith.addi %add3A_269, %mul3A_217 : i32
      %get3A_271 = arith.index_cast %add3A_270 : i32 to index
      %get3A_272 = tpu.vector_load %arg8[%get3A_271] {strides = array<i32>} : memref<13312xf32, #tpu.memory_space<vmem>>, vector<16xf32>,
      %get3A_273 = arith.constant 25 : i32
      %get3A_274 = arith.index_cast %get3A_273 : i32 to index
      %get3A_275 = arith.index_cast %mul3A_217 : i32 to index
      %get3A_276 = tpu.vector_load %arg9[%get3A_274, %get3A_275] {strides = array<i32>} : memref<26x512xf32, #tpu.memory_space<vmem>>, vector<16xf32>,
      %mul3A_277 = arith.mulf %get3A_272, %get3A_276 : vector<16xf32>
      %add3A_278 = arith.addf %add3A_268, %mul3A_277 : vector<16xf32>
      %swap3A = arith.index_cast %mul3A_217 : i32 to index
      %swap3A_279 = tpu.vector_load %arg10[%swap3A] {strides = array<i32>} : memref<512xf32, #tpu.memory_space<vmem>>, vector<16xf32>,
      tpu.vector_store %arg10[%swap3A], %add3A_278 {strides = array<i32>} : memref<512xf32, #tpu.memory_space<vmem>>, vector<16xf32>,
    }
    %scan3A_214 = arith.constant 32 : i32
    "tpu.region"() ({
      %run_scoped3A = tpu.sem_alloc : memref<!tpu.dma_semaphore, #tpu.memory_space<semaphore_mem>>
      %dma_start3A_215 = tpu.memref_slice %arg6[%mul3A_2] : memref<16384xf32, #tpu.memory_space<hbm>> -> memref<512xf32, #tpu.memory_space<hbm>>
      %dma_start3A_216 = tpu.memref_slice %arg6[%mul3A_2] : memref<16384xf32, #tpu.memory_space<hbm>> -> memref<512xf32, #tpu.memory_space<hbm>>
      tpu.enqueue_dma source(%arg10 : memref<512xf32, #tpu.memory_space<vmem>>) target(%dma_start3A_216 : memref<512xf32, #tpu.memory_space<hbm>>) target_semaphore(%run_scoped3A : memref<!tpu.dma_semaphore, #tpu.memory_space<semaphore_mem>>)
      %dma_wait3A_217 = tpu.memref_slice %arg6[%mul3A_2] : memref<16384xf32, #tpu.memory_space<hbm>> -> memref<512xf32, #tpu.memory_space<hbm>>
      %dma_wait3A_218 = tpu.memref_slice %arg6[%mul3A_2] : memref<16384xf32, #tpu.memory_space<hbm>> -> memref<512xf32, #tpu.memory_space<hbm>>
      tpu.wait_dma2 semaphore(%run_scoped3A : memref<!tpu.dma_semaphore, #tpu.memory_space<semaphore_mem>>) src(%arg10 : memref<512xf32, #tpu.memory_space<vmem>>) dst(%dma_wait3A_218 : memref<512xf32, #tpu.memory_space<hbm>>)
      tpu.yield
    }) : () -> ()
    return
  }
}

</mosaic_0001>

<sc_bundles>
// kernel: kernel.3.cloned.1.call-start
scs
__scs_entry_jumppad:
0x0: {  	(pc) =	sbr.rel $0x88, $3  }
0x1: {  	(tag) =	ssettag $0x0;
	lr =	simm.s32 $0x1  }
0x2: {  	[smem:$0x3F9D] =	sst lr;
	_ =	strace $0xD0000000  }
0x3: {  	_ = 	snop  }
0x4: {  	_ = 	snop  }
0x5: {  	_ = 	snop  }
0x6: {  	_ = 	snop  }
0x7: {  	_ = 	snop  }
__scs_overlays_trampoline_lowered:
0x8: {  	[smem:$0x3FAC] =	sst s0  }
0x9: {  	[smem:$0x3FAD] =	sst s1  }
0xa: {  	[smem:$0x3FAE] =	sst s2  }
0xb: {  	[smem:$0x3FAF] =	sst s3  }
0xc: {  	[smem:$0x3FB0] =	sst s4  }
0xd: {  	[smem:$0x3FB1] =	sst s5  }
0xe: {  	[smem:$0x3FB2] =	sst s6  }
0xf: {  	[smem:$0x3FB3] =	sst s7  }
0x10: {  	[smem:$0x3FB4] =	sst s8  }
0x11: {  	[smem:$0x3FB5] =	sst s9;
	s0 =	simm.s32 @!p0 $0x0  }
0x12: {  	s1 =	sld [smem:$0x3F9B];
	s0 =	simm.s32 @p0 $0x1  }
0x13: {  	[smem:$0x3FB6] =	sst s0;
	s0 =	simm.s32 @!p1 $0x0  }
0x14: {  	s2 =	sld [smem:$0x3F9A];
	s0 =	simm.s32 @p1 $0x1  }
0x15: {  	[smem:$0x3FB7] =	sst s0;
	s0 =	simm.s32 @!p2 $0x0  }
0x16: {  	s3 =	sld [smem:$0x3FDB];
	s0 =	simm.s32 @p2 $0x1  }
0x17: {  	s4 =	simm.s32 $0x1BF5;
	[smem:$0x3FB9] =	sst s0  }
0x18: {  	s0 =	sld [smem:$0x3F9C];
	_ =	swait.ge [sflag:s4], $0x0  }
0x19: {  	s7 =	sld [smem:$0x3F9D]  }
0x1a: {  	s8 =	sadd.s32 $0xFFFFE003, lr  }
0x1b: {  	s9 =	sadd.s32 $0xFFFFFEF7, lr;
	s5 =	simm.s32 $0xFFFFFFFF;
	p2 =	slt.u32 s8, $0xFFFFF086  }
0x1c: {  	p1 =	slt.u32 s9, $0xF7A;
	s5 =	simm.s32 @!p2 $0x0  }
0x1d: {  	s5 =	simm.s32 @p1 $0x1;
	p0 =	seq.s32 s7, s2  }
0x1e: {  	s7 =	smul.u32 @!p0 $0xF7A, s2;
	p2 =	seq.s32 @!p0 s5, $0x0  }
0x1f: {  	s9 =	smul.u32 $0xF7A, s1;
	s8 =	simm.s32 @!p0 $0x1BF5;
	p2 =	por !p2, p0  }
0x20: {  	[sflag:s8] =	ssyncset.s32 @!p0 $0xFFFFF086;
	s6 =	sadd.s32 @!p0 s3, s7;
	s7 =	simm.s32 @!p0 $0x108  }
0x21: {  	s3 =	sadd.s32 s3, s9;
	s6 =	sadd.s32 @!p0 $0x88, s6;
	s7 =	simm.s32 @p2 $0x1082  }
0x22: {  	[simem:s7], [sflag:s8] =	dma.local @!p0 [hbm:s6], $0xF7A  }
0x23: {  	s9 =	sor.u32 $0xD0000000, s2;
	s6 =	simm.s32 $0x108;
	_ =	swait.ge @!p0 [sflag:s8], $0x0  }
0x24: {  	s3 =	sadd.s32 $0x88, s3;
	s6 =	simm.s32 @!p1 $0x1082;
	[sflag:s4] =	ssyncset.s32 $0xFFFFF086  }
0x25: {  	[simem:s6], [sflag:s4] =	dma.local [hbm:s3], $0xF7A  }
0x26: {  	[smem:$0x3F9D] =	sst s1;
	(tag) =	ssettag s2;
	_ =	strace s9  }
0x27: {  	s1 =	sld [smem:$0x3FAD]  }
0x28: {  	s2 =	sld [smem:$0x3FAE]  }
0x29: {  	s4 =	sld [smem:$0x3FB0]  }
0x2a: {  	p0 =	seq.s32 s5, $0x0;
	s5 =	sld [smem:$0x3FB1]  }
0x2b: {  	s6 =	sld [smem:$0x3FB2]  }
0x2c: {  	s7 =	sld [smem:$0x3FB3]  }
0x2d: {  	s3 =	simm.s32 $0x108;
	s8 =	sld [smem:$0x3FB4]  }
0x2e: {  	s3 =	simm.s32 @!p0 $0x1082;
	s9 =	sld [smem:$0x3FB5]  }
0x2f: {  	lr =	sadd.s32 s0, s3;
	s0 =	sld [smem:$0x3FAC]  }
0x30: {  	s3 =	sld [smem:$0x3FAF]  }
0x31: {  	[smem:$0x3FB8] =	sst s10  }
0x32: {  	s10 =	sld [smem:$0x3FB6];
	_ =	sdelay $0x3  }
0x33: {  	p0 =	seq.s32 s10, $0x1;
	s10 =	sld [smem:$0x3FB8];
	_ =	sdelay $0x3  }
0x34: {  	[smem:$0x3FB8] =	sst s10  }
0x35: {  	s10 =	sld [smem:$0x3FB7];
	_ =	sdelay $0x3  }
0x36: {  	p1 =	seq.s32 s10, $0x1;
	s10 =	sld [smem:$0x3FB8];
	_ =	sdelay $0x3  }
0x37: {  	[smem:$0x3FB8] =	sst s10  }
0x38: {  	s10 =	sld [smem:$0x3FB9]  }
0x39: {  	_ = 	snop;
	(pc) =	sbr.ind lr, $3  }
0x3a: {  	_ = 	snop  }
0x3b: {  	_ = 	snop  }
0x3c: {  	p2 =	seq.s32 s10, $0x1;
	s10 =	sld [smem:$0x3FB8]  }
0x3d: {  	_ =	shalt  }
0x3e: {  	_ =	shalt  }
0x3f: {  	_ =	shalt  }
0x40: {  	_ =	shalt  }
0x41: {  	_ =	shalt  }
0x42: {  	_ =	shalt  }
0x43: {  	_ =	shalt  }
0x44: {  	_ =	shalt  }
0x45: {  	_ =	shalt  }
0x46: {  	_ =	shalt  }
0x47: {  	_ =	shalt  }
0x48: {  	_ =	shalt  }
0x49: {  	_ =	shalt  }
0x4a: {  	_ =	shalt  }
0x4b: {  	_ =	shalt  }
0x4c: {  	_ =	shalt  }
0x4d: {  	_ =	shalt  }
0x4e: {  	_ =	shalt  }
0x4f: {  	_ =	shalt  }
0x50: {  	_ =	shalt  }
0x51: {  	_ =	shalt  }
0x52: {  	_ =	shalt  }
0x53: {  	_ =	shalt  }
0x54: {  	_ =	shalt  }
0x55: {  	_ =	shalt  }
0x56: {  	_ =	shalt  }
0x57: {  	_ =	shalt  }
0x58: {  	_ =	shalt  }
0x59: {  	_ =	shalt  }
0x5a: {  	_ =	shalt  }
0x5b: {  	_ =	shalt  }
0x5c: {  	_ =	shalt  }
0x5d: {  	_ =	shalt  }
0x5e: {  	_ =	shalt  }
0x5f: {  	_ =	shalt  }
0x60: {  	_ =	shalt  }
0x61: {  	_ =	shalt  }
0x62: {  	_ =	shalt  }
0x63: {  	_ =	shalt  }
0x64: {  	_ =	shalt  }
0x65: {  	_ =	shalt  }
0x66: {  	_ =	shalt  }
0x67: {  	_ =	shalt  }
0x68: {  	_ =	shalt  }
0x69: {  	_ =	shalt  }
0x6a: {  	_ =	shalt  }
0x6b: {  	_ =	shalt  }
0x6c: {  	_ =	shalt  }
0x6d: {  	_ =	shalt  }
0x6e: {  	_ =	shalt  }
0x6f: {  	_ =	shalt  }
0x70: {  	_ =	shalt  }
0x71: {  	_ =	shalt  }
0x72: {  	_ =	shalt  }
0x73: {  	_ =	shalt  }
0x74: {  	_ =	shalt  }
0x75: {  	_ =	shalt  }
0x76: {  	_ =	shalt  }
0x77: {  	_ =	shalt  }
0x78: {  	_ =	shalt  }
0x79: {  	_ =	shalt  }
0x7a: {  	_ =	shalt  }
0x7b: {  	_ =	shalt  }
0x7c: {  	_ =	shalt  }
0x7d: {  	_ =	shalt  }
0x7e: {  	_ =	shalt  }
0x7f: {  	_ =	shalt  }
0x80: {  	_ =	shalt  }
0x81: {  	_ =	shalt  }
0x82: {  	_ =	shalt  }
0x83: {  	_ =	shalt  }
0x84: {  	_ =	shalt  }
0x85: {  	_ =	shalt  }
0x86: {  	_ =	shalt  }
0x87: {  	_ =	shalt  }
.Lfunc_end0:
.L_simem_size_0:
called_computation_lowered:
.L_overlay_start_0:
0x88: {  	s2 =	sld [smem:$0x3FD9]  }
0x89: {  	s3 =	sld [smem:$0x3FFE];
	_ =	sdelay $0x1  }
0x8a: {  	s1 =	srdreg.scid  }
0x8b: {  	s0 =	sand.u32 $0x1, s1  }
0x8c: {  	s17 =	sshll.u32 s0, $0xA;
	s2 =	sadd.s32 s3, s2  }
0x8d: {  	s2 =	sadd.s32 s2, s17  }
0x8e: {  	[smem:$0x3FC4] =	sst s2  }
0x8f: {  	_ = 	snop  }
0x90: {  	s2 =	sld [smem:$0x3FC8]  }
0x91: {  	s18 =	sld [smem:$0x3FC7]  }
0x92: {  	s4 =	sld [smem:$0x3FC6]  }
0x93: {  	s5 =	sld [smem:$0x3FD0];
	(tm) =	ssettm $0x1  }
0x94: {  	s6 =	sld [smem:$0x3FFB];
	_ =	sdelay $0x3  }
0x95: {  	_ =	strace s6  }
0x96: {  	s6 =	sld [smem:$0x3FFC];
	_ =	sdelay $0x3  }
0x97: {  	_ =	strace s6  }
0x98: {  	s6 =	sld [smem:$0x3FFD];
	_ =	sdelay $0x3  }
0x99: {  	_ =	strace s6  }
0x9a: {  	_ =	strace $0x8FFFFFFF  }
0x9b: {  	s19 =	sld [smem:$0x3FDB];
	_ =	sdelay $0x1  }
0x9c: {  	s7 =	simm.s32 $_scs_section_size  }
0x9d: {  	s8 =	simm.s32 $_size__tile_overlayer_lowered;
	s9 =	simm.s32 $_tile_overlayer_lowered  }
0x9e: {  	s22 =	simm.s32 $0x1BFF;
	s21 =	sshll.u32 s9, $0x1;
	s6 =	sadd.s32 s7, s19  }
0x9f: {  	s10 =	simm.s32 $0x0;
	s20 =	sshll.u32 s8, $0x1;
	s8 =	sadd.s32 s21, s6  }
0xa0: {  	[timem:s10], [sflag:s22] =	dma.local [hbm:s8], s20  }
0xa1: {  	_ =	swait.ge [sflag:s22], s20  }
0xa2: {  	s7 =	ssub.s32 $0x0, s20;
	[sflag:s22] =	ssyncset.done $0x0  }
0xa3: {  	[sflag:s22] =	ssyncadd.s32 s7;
	_ =	sdelay $0x1  }
0xa4: {  	s23 =	simm.s32 $0x1B8B  }
0xa5: {  	_ =	swait.ge [sflag:s23], $0x1  }
0xa6: {  	[sflag:s23] =	ssyncset.done $0x0  }
0xa7: {  	s25 =	simm.s32 $0x1B8E;
	s24 =	sld [smem:$0x3FFE];
	[sflag:s23] =	ssyncadd.s32 $0xFFFFFFFF  }
0xa8: {  	s26 =	simm.s32 $execute0_lowered;
	[smem:$0x3FD2] =	sst s25  }
0xa9: {  	s8 =	sshll.u32 s26, $0x1;
	_ =	strace $0x80000046;
	[dreg:$0x1] =	wrdreg $0xFFFFFFFF  }
0xaa: {  	s28 =	simm.s32 $_size_execute0_lowered;
	s6 =	sadd.s32 s6, s8;
	[dreg:$0x0] =	wrdreg $0x0  }
0xab: {  	s8 =	sshll.u32 s28, $0x1;
	[dreg:$0x2] =	wrdreg s6  }
0xac: {  	[dreg:$0x3] =	wrdreg s8  }
0xad: {  	[dreg:$0x4] =	wrdreg $0xC0  }
0xae: {  	_ =	task [dreg:s10], $0x5FFFF  }
0xaf: {  	[dreg:$0x1] =	wrdreg $0xFFFFFFFF  }
0xb0: {  	[dreg:$0x0] =	wrdreg $0x60  }
0xb1: {  	[dreg:$0x2] =	wrdreg s24  }
0xb2: {  	[dreg:$0x3] =	wrdreg s2  }
0xb3: {  	[dreg:$0x4] =	wrdreg s18  }
0xb4: {  	[dreg:$0x5] =	wrdreg s4  }
0xb5: {  	[dreg:$0x6] =	wrdreg s5  }
0xb6: {  	[dreg:$0x7] =	wrdreg $0xAA800  }
0xb7: {  	[dreg:$0x8] =	wrdreg $0x9  }
0xb8: {  	_ =	task.clear_ibuf [dreg:s10], $0x9FFFF;
	_ =	strace $0x90000046  }
0xb9: {  	s29 =	simm.s32 $0x9;
	_ =	strace $0x80000048  }
0xba: {  	_ =	swait.ge [sflag:s29], $0x1  }
0xbb: {  	[sflag:s29] =	ssyncadd.s32 $0xFFFFFFFF  }
0xbc: {  	_ =	strace $0x90000048  }
0xbd: {  	_ =	sfence  }
0xbe: {  	s30 =	sld [smem:$0x0];
	_ =	sdelay $0x2  }
0xbf: {  	s31 =	sshll.u32 s1, $0xD;
	s1 =	sshrl.u32 s1, $0x2  }
0xc0: {  	s3 =	sand.u32 $0x4000, s31;
	s1 =	sadd.s32 s1, s30  }
0xc1: {  	s0 =	sor.u32 s3, s0;
	s1 =	sshll.u32 s1, $0x11  }
0xc2: {  	s0 =	sor.u32 s1, s0  }
0xc3: {  	s0 =	sadd.s32 $0x8F2B, s0  }
0xc4: {  	[sflag:s0] =	ssyncadd.remote.s32 $0x1  }
0xc5: {  	_ =	sfence.sel $0xFFFF  }
0xc6: {  	[dreg:$0x0] =	wrdreg $0xFFFFFFFF;
	(pc) =	sbr.abs _section_cstart, $3  }
0xc7: {  	[dreg:$0x1] =	wrdreg $0xFFFFFFFF  }
0xc8: {  	_ =	task.clear_ibuf [dreg:s10], $0x2FFFF;
	_ =	strace $0x9FFFFFFF  }
0xc9: {  	(tm) =	ssettm $0x7FFFFFFF  }
tec
execute0_lowered:
.L_overlay_start_1:
0x0: {  	(tag) =	ssettag $0x1  }
0x1: {  	s0 =	rddreg [dreg:$0x0]  }
0x2: {  	s1 =	rddreg [dreg:$0x1]  }
0x3: {  	s2 =	rddreg [dreg:$0x2]  }
0x4: {  	s11 =	rddreg [dreg:$0x4]  }
0x5: {  	s3 =	rddreg [dreg:$0x5]  }
0x6: {  	s4 =	srdreg.scid;
	s15 =	stileid.u32  }
0x7: {  	s21 =	simm.s32 $0xAA00;
	s22 =	simm.s32 $0x3;
	s23 =	simm.s32 $0x1  }
0x8: {  	s24 =	simm.s32 $0xE00;
	s25 =	simm.s32 $0xC00;
	s30 =	simm.s32 $0x2800  }
0x9: {  	s31 =	simm.s32 $0x5C00;
	s5 =	sand.u32 $0x1, s4;
	s4 =	simm.s32 $0x0  }
0xa: {  	s6 =	sshll.u32 s15, $0xA;
	s29 =	smul.u32 $0xF480, s15;
	s14 =	sadd.s32 $0xE5380, s3  }
0xb: {  	p0 =	seq.s32 s15, $0xF;
	s7 =	sshll.u32 s5, $0x9;
	[smem:$0x7FF] =	sst s4  }
0xc: {  	s5 =	ssub.s32 $0x2, s5;
	s14 =	sshrl.u32 @p0 s14, $0x3;
	s7 =	sor.u32 s7, s6  }
0xd: {  	_ =	strace $0x80000047;
	s8 =	sshrl.u32 s5, $0x1;
	s9 =	sshrl.u32 s29, $0x3  }
0xe: {  	s16 =	sadd.s32 s29, s3;
	s6 =	sadd.s32 $0x1CA70, s2;
	s12 =	sshrl.u32 s7, $0x3  }
0xf: {  	s13 =	ssub.s32 s5, s8;
	s5 =	sadd.s32 s2, s9;
	s7 =	sadd.s32 s1, s7  }
0x10: {  	s16 =	sshrl.u32 @!p0 s16, $0x3;
	s2 =	simm.s32 $0x0;
	s0 =	sadd.s32 s12, s0  }
0x11: {  	s8 =	sadd.s32 $0x4000, s7;
	s9 =	sadd.s32 $0x8000, s7;
	s11 =	sadd.s32 s11, s12  }
0x12: {  	s12 =	smax.u32 s13, $0x1;
	s13 =	sadd.s32 $0x400, s0;
	s0 =	sshll.u32 @!p0 s15, $0x6  }
0x13: {  	s10 =	sadd.s32 $0xC000, s7;
	s15 =	sor.u32 @!p0 $0x1C02, s0;
	s0 =	simm.s32 $0xA800  }
.LBB2_1:
0x14: {  	s1 =	simm.s32 @p0 $0x1FC2  }
0x15: {  	[spmem:s14], [sflag:s1] =	dma.local @p0 [hbm:s6], $0x1DE0  }
0x16: {  	s17 =	simm.s32 $0x0;
	s18 =	sadd.s32 $0x0, s13;
	s1 =	simm.s32 $0x800  }
0x17: {  	[spmem:s16], [sflag:s15] =	dma.local @!p0 [hbm:s5], $0x1E90  }
.LBB2_2:
0x18: {  	[tilespmem:s17], [sflag:$0x1] =	stream.linear.gather [hbm4b:s18+s4], $0x200, $0x38;
	[tilespmem:$0x19EA8] =	vst v63  }
0x19: {  	s18 =	smov.u32 s1;
	p1 =	sne.s32 s1, $0xC800  }
.Ltmp0:
0x1a: {  	s1 =	sadd.s32 $0x800, s1;
	(pc) =	sbr.rel @p1 .LBB2_2-.Ltmp0, $2  }
0x1b: {  	_ =	sdelay $0x2  }
0x1c: {  	s17 =	sshra.s32 s18, $0x2;
	s18 =	sadd.s32 s18, s13  }
0x1d: {  	[tilespmem:s17], [sflag:$0x1] =	stream.linear.gather [hbm4b:s18+s4], $0x200, $0x38;
	[tilespmem:$0x19EA8] =	vst v63  }
0x1e: {  	s1 =	simm.s32 $0x6800  }
0x1f: {  	[tilespmem:s1], [sflag:$0x1] =	stream.linear.gather [hbm4b:s7+s4], $0x1000, $0x38;
	[tilespmem:$0x19EA8] =	vst v63  }
0x20: {  	s29 =	simm.s32 $0x7800  }
0x21: {  	[tilespmem:s29], [sflag:$0x1] =	stream.linear.gather [hbm4b:s8+s4], $0x1000, $0x38;
	[tilespmem:$0x19EA8] =	vst v63  }
0x22: {  	s17 =	simm.s32 $0x8800  }
0x23: {  	[tilespmem:s17], [sflag:$0x1] =	stream.linear.gather [hbm4b:s9+s4], $0x1000, $0x38;
	[tilespmem:$0x19EA8] =	vst v63  }
0x24: {  	s18 =	simm.s32 $0x9800  }
0x25: {  	[tilespmem:s18], [sflag:$0x1] =	stream.linear.gather [hbm4b:s10+s4], $0x1000, $0x38;
	[tilespmem:$0x19EA8] =	vst v63  }
0x26: {  	s19 =	rddreg [dreg:$0x3]  }
0x27: {  	[tilespmem:s21], [sflag:$0x3] =	stream.linear.gather [hbm4b:s19+s4], $0x80, $0x38;
	[tilespmem:$0x19EA8] =	vst v63  }
0x28: {  	_ =	swait.ge [sflag:s22], $0x80  }
0x29: {  	[sflag:s22] =	ssyncset.done $0x0  }
0x2a: {  	[sflag:s22] =	ssyncadd.s32 $0xFFFFFF80  }
0x2b: {  	_ =	swait.ge [sflag:s23], $0x200  }
0x2c: {  	[sflag:s23] =	ssyncset.done $0x0  }
0x2d: {  	[sflag:s23] =	ssyncadd.s32 $0xFFFFFE00  }
0x2e: {  	_ =	swait.ge [sflag:s23], $0x200  }
0x2f: {  	[sflag:s23] =	ssyncset.done $0x0  }
0x30: {  	[sflag:s23] =	ssyncadd.s32 $0xFFFFFE00  }
0x31: {  	_ =	swait.ge [sflag:s23], $0x200  }
0x32: {  	[sflag:s23] =	ssyncset.done $0x0  }
0x33: {  	[sflag:s23] =	ssyncadd.s32 $0xFFFFFE00  }
0x34: {  	_ =	swait.ge [sflag:s23], $0x200  }
0x35: {  	[sflag:s23] =	ssyncset.done $0x0  }
0x36: {  	[sflag:s23] =	ssyncadd.s32 $0xFFFFFE00  }
0x37: {  	_ =	swait.ge [sflag:s23], $0x200  }
0x38: {  	[sflag:s23] =	ssyncset.done $0x0  }
0x39: {  	[sflag:s23] =	ssyncadd.s32 $0xFFFFFE00  }
0x3a: {  	_ =	swait.ge [sflag:s23], $0x200  }
0x3b: {  	[sflag:s23] =	ssyncset.done $0x0  }
0x3c: {  	[sflag:s23] =	ssyncadd.s32 $0xFFFFFE00  }
0x3d: {  	_ =	swait.ge [sflag:s23], $0x200  }
0x3e: {  	[sflag:s23] =	ssyncset.done $0x0  }
0x3f: {  	[sflag:s23] =	ssyncadd.s32 $0xFFFFFE00  }
0x40: {  	_ =	swait.ge [sflag:s23], $0x200  }
0x41: {  	[sflag:s23] =	ssyncset.done $0x0  }
0x42: {  	[sflag:s23] =	ssyncadd.s32 $0xFFFFFE00  }
0x43: {  	_ =	swait.ge [sflag:s23], $0x200  }
0x44: {  	[sflag:s23] =	ssyncset.done $0x0  }
0x45: {  	[sflag:s23] =	ssyncadd.s32 $0xFFFFFE00  }
0x46: {  	_ =	swait.ge [sflag:s23], $0x200  }
0x47: {  	[sflag:s23] =	ssyncset.done $0x0  }
0x48: {  	[sflag:s23] =	ssyncadd.s32 $0xFFFFFE00  }
0x49: {  	_ =	swait.ge [sflag:s23], $0x200  }
0x4a: {  	[sflag:s23] =	ssyncset.done $0x0  }
0x4b: {  	[sflag:s23] =	ssyncadd.s32 $0xFFFFFE00  }
0x4c: {  	_ =	swait.ge [sflag:s23], $0x200  }
0x4d: {  	[sflag:s23] =	ssyncset.done $0x0  }
0x4e: {  	[sflag:s23] =	ssyncadd.s32 $0xFFFFFE00  }
0x4f: {  	_ =	swait.ge [sflag:s23], $0x200  }
0x50: {  	[sflag:s23] =	ssyncset.done $0x0  }
0x51: {  	[sflag:s23] =	ssyncadd.s32 $0xFFFFFE00  }
0x52: {  	_ =	swait.ge [sflag:s23], $0x200  }
0x53: {  	[sflag:s23] =	ssyncset.done $0x0  }
0x54: {  	[sflag:s23] =	ssyncadd.s32 $0xFFFFFE00  }
0x55: {  	_ =	swait.ge [sflag:s23], $0x200  }
0x56: {  	[sflag:s23] =	ssyncset.done $0x0  }
0x57: {  	[sflag:s23] =	ssyncadd.s32 $0xFFFFFE00  }
0x58: {  	_ =	swait.ge [sflag:s23], $0x200  }
0x59: {  	[sflag:s23] =	ssyncset.done $0x0  }
0x5a: {  	[sflag:s23] =	ssyncadd.s32 $0xFFFFFE00  }
0x5b: {  	_ =	swait.ge [sflag:s23], $0x200  }
0x5c: {  	[sflag:s23] =	ssyncset.done $0x0  }
0x5d: {  	[sflag:s23] =	ssyncadd.s32 $0xFFFFFE00  }
0x5e: {  	_ =	swait.ge [sflag:s23], $0x200  }
0x5f: {  	[sflag:s23] =	ssyncset.done $0x0  }
0x60: {  	[sflag:s23] =	ssyncadd.s32 $0xFFFFFE00  }
0x61: {  	_ =	swait.ge [sflag:s23], $0x200  }
0x62: {  	[sflag:s23] =	ssyncset.done $0x0  }
0x63: {  	[sflag:s23] =	ssyncadd.s32 $0xFFFFFE00  }
0x64: {  	_ =	swait.ge [sflag:s23], $0x200  }
0x65: {  	[sflag:s23] =	ssyncset.done $0x0  }
0x66: {  	[sflag:s23] =	ssyncadd.s32 $0xFFFFFE00  }
0x67: {  	_ =	swait.ge [sflag:s23], $0x200  }
0x68: {  	[sflag:s23] =	ssyncset.done $0x0  }
0x69: {  	[sflag:s23] =	ssyncadd.s32 $0xFFFFFE00  }
0x6a: {  	_ =	swait.ge [sflag:s23], $0x200  }
0x6b: {  	[sflag:s23] =	ssyncset.done $0x0  }
0x6c: {  	[sflag:s23] =	ssyncadd.s32 $0xFFFFFE00  }
0x6d: {  	_ =	swait.ge [sflag:s23], $0x200  }
0x6e: {  	[sflag:s23] =	ssyncset.done $0x0  }
0x6f: {  	[sflag:s23] =	ssyncadd.s32 $0xFFFFFE00  }
0x70: {  	_ =	swait.ge [sflag:s23], $0x200  }
0x71: {  	[sflag:s23] =	ssyncset.done $0x0  }
0x72: {  	[sflag:s23] =	ssyncadd.s32 $0xFFFFFE00  }
0x73: {  	_ =	swait.ge [sflag:s23], $0x200  }
0x74: {  	[sflag:s23] =	ssyncset.done $0x0  }
0x75: {  	[sflag:s23] =	ssyncadd.s32 $0xFFFFFE00  }
0x76: {  	_ =	swait.ge [sflag:s23], $0x200  }
0x77: {  	[sflag:s23] =	ssyncset.done $0x0  }
0x78: {  	s1 =	simm.s32 @p0 $0x2;
	[sflag:s23] =	ssyncadd.s32 $0xFFFFFE00  }
0x79: {  	_ =	swait.ge @p0 [sflag:s1], $0x1DE0  }
0x7a: {  	[sflag:s1] =	ssyncset.done @p0 $0x0  }
0x7b: {  	[sflag:s1] =	ssyncadd.s32 @p0 $0xFFFFE220;
	s1 =	simm.s32 @!p0 $0x2  }
0x7c: {  	_ =	swait.ge @!p0 [sflag:s1], $0x1E90  }
0x7d: {  	[sflag:s1] =	ssyncset.done @!p0 $0x0  }
0x7e: {  	[sflag:s1] =	ssyncadd.s32 @!p0 $0xFFFFE170  }
0x7f: {  	s17 =	simm.s32 $0x0;
	s1 =	simm.s32 $0x3400;
	[bflag:$0x0] =	sbarrier.arrive $0xFFFF  }
0x80: {  	[tilespmem:s1], [sflag:$0x1] =	stream.indirect.gather [spmem:s3], $0x1, s17, s24, $0xb8;
	[tilespmem:$0x19EA8] =	vst v63  }
0x81: {  	s20 =	simm.s32 $0x4200  }
0x82: {  	[tilespmem:s20], [sflag:$0x1] =	stream.indirect.gather [spmem:s3], $0x1, s24, s25, $0xb8;
	[tilespmem:$0x19EA8] =	vst v63  }
0x83: {  	s26 =	simm.s32 $0x1A00;
	s19 =	simm.s32 $0x4E00  }
0x84: {  	[tilespmem:s19], [sflag:$0x1] =	stream.indirect.gather [spmem:s3], $0x1, s26, s24, $0xb8;
	[tilespmem:$0x19EA8] =	vst v63  }
0x85: {  	_ = 	snop  }
0x86: {  	[tilespmem:s31], [sflag:$0x1] =	stream.indirect.gather [spmem:s3], $0x1, s30, s25, $0xb8;
	[tilespmem:$0x19EA8] =	vst v63  }
0x87: {  	_ =	swait.ge [sflag:s23], $0x1000  }
0x88: {  	[sflag:s23] =	ssyncset.done $0x0  }
0x89: {  	[sflag:s23] =	ssyncadd.s32 $0xFFFFF000  }
0x8a: {  	_ =	swait.ge [sflag:s23], $0x1000  }
0x8b: {  	[sflag:s23] =	ssyncset.done $0x0  }
0x8c: {  	[sflag:s23] =	ssyncadd.s32 $0xFFFFF000  }
0x8d: {  	_ =	swait.ge [sflag:s23], $0x1000  }
0x8e: {  	[sflag:s23] =	ssyncset.done $0x0  }
0x8f: {  	[sflag:s23] =	ssyncadd.s32 $0xFFFFF000  }
0x90: {  	_ =	swait.ge [sflag:s23], $0x1000  }
0x91: {  	[sflag:s23] =	ssyncset.done $0x0  }
0x92: {  	[sflag:s23] =	ssyncadd.s32 $0xFFFFF000  }
0x93: {  	v0 =	vld.msk [tilespmem:s21+$0x0], $0xffff;
	_ =	swait.ge [sflag:s23], $0xE00  }
0x94: {  	s28 =	sand.u32 $0x70, s17;
	s29 =	sand.u32 $0xC00, s17;
	[sflag:s23] =	ssyncset.done $0x0  }
0x95: {  	s18 =	sor.u32 s28, s29;
	[sflag:s23] =	ssyncadd.s32 $0xFFFFF200  }
0x96: {  	v1 =	vld [tilespmem:s18+$0x6800]  }
0x97: {  	s17 =	sand.u32 $0x1F0, s17;
	v2 =	vld [tilespmem:s1+$0x0]  }
0x98: {  	v3 =	vld [tilespmem:s17+$0x3600]  }
0x99: {  	v4 =	vld [tilespmem:s18+$0x6880]  }
0x9a: {  	v5 =	vld [tilespmem:s17+$0x3800]  }
0x9b: {  	v6 =	vld [tilespmem:s18+$0x6900]  }
0x9c: {  	v7 =	vld [tilespmem:s18+$0x6980];
	v1 =	vmul.f32 v1, v2  }
0x9d: {  	v2 =	vld [tilespmem:s17+$0x3A00]  }
0x9e: {  	v60 =	vld [tilespmem:s17+$0x3C00];
	v3 =	vmul.f32 v4, v3;
	v1 =	vadd.f32 v1, v0  }
0x9f: {  	v8 =	vld [tilespmem:s18+$0x6A00]  }
0xa0: {  	v61 =	vld [tilespmem:s17+$0x3E00];
	v1 =	vadd.f32 v3, v1;
	v3 =	vmul.f32 v6, v5  }
0xa1: {  	v62 =	vld [tilespmem:s18+$0x6A80]  }
0xa2: {  	v63 =	vld [tilespmem:s18+$0x6B00];
	v2 =	vmul.f32 v7, v2;
	v1 =	vadd.f32 v3, v1  }
0xa3: {  	v3 =	vld [tilespmem:s17+$0x4000]  }
0xa4: {  	v1 =	vadd.f32 v2, v1;
	v2 =	vmul.f32 v8, v60;
	_ =	sdelay $0x1  }
0xa5: {  	v1 =	vadd.f32 v2, v1;
	v2 =	vmul.f32 v62, v61;
	_ =	sdelay $0x1  }
0xa6: {  	v1 =	vadd.f32 v2, v1;
	v2 =	vmul.f32 v63, v3;
	_ =	sdelay $0x1  }
0xa7: {  	s19 =	simm.s32 $0x80;
	s18 =	simm.s32 $0x10;
	v1 =	vadd.f32 v2, v1  }
0xa8: {  	s26 =	sand.u32 $0xC00, s19;
	s20 =	sand.u32 $0x70, s18;
	s17 =	simm.s32 $0xA800  }
0xa9: {  	s20 =	sor.u32 s20, s26;
	s26 =	simm.s32 $0x20;
	[tilespmem:s17+$0x0] =	vst v1  }
.LBB2_4:
0xaa: {  	p1 =	sne.s32 s26, $0x1F0;
	v1 =	vld [tilespmem:s20+$0x6800];
	s1 =	sadd.s32 $0x10, s1  }
0xab: {  	s28 =	sand.u32 $0x1F0, s18;
	s18 =	smov.u32 s26;
	v2 =	vld [tilespmem:s1+$0x0]  }
0xac: {  	v3 =	vld [tilespmem:s28+$0x3600]  }
0xad: {  	v4 =	vld [tilespmem:s20+$0x6880]  }
0xae: {  	v5 =	vld [tilespmem:s28+$0x3800]  }
0xaf: {  	v6 =	vld [tilespmem:s20+$0x6900]  }
0xb0: {  	v1 =	vmul.f32 v1, v2;
	v2 =	vld [tilespmem:s28+$0x3A00]  }
0xb1: {  	v7 =	vld [tilespmem:s20+$0x6980]  }
0xb2: {  	v1 =	vadd.f32 v1, v0;
	v3 =	vmul.f32 v4, v3;
	v4 =	vld [tilespmem:s28+$0x3C00]  }
0xb3: {  	v8 =	vld [tilespmem:s20+$0x6A00]  }
0xb4: {  	v1 =	vadd.f32 v3, v1;
	v3 =	vmul.f32 v6, v5;
	v5 =	vld [tilespmem:s28+$0x3E00]  }
0xb5: {  	v6 =	vld [tilespmem:s20+$0x6A80]  }
0xb6: {  	v1 =	vadd.f32 v3, v1;
	v2 =	vmul.f32 v7, v2;
	v3 =	vld [tilespmem:s28+$0x4000]  }
0xb7: {  	v7 =	vld [tilespmem:s20+$0x6B00]  }
0xb8: {  	v1 =	vadd.f32 v2, v1;
	v2 =	vmul.f32 v8, v4;
	_ =	sdelay $0x1  }
0xb9: {  	v1 =	vadd.f32 v2, v1;
	v2 =	vmul.f32 v6, v5;
	_ =	sdelay $0x1  }
.Ltmp1:
0xba: {  	v1 =	vadd.f32 v2, v1;
	v2 =	vmul.f32 v7, v3;
	(pc) =	sbr.rel @p1 .LBB2_4-.Ltmp1, $4  }
0xbb: {  	_ = 	snop  }
0xbc: {  	s19 =	sadd.s32 $0x80, s19;
	v1 =	vadd.f32 v2, v1  }
0xbd: {  	s17 =	sadd.s32 $0x10, s17;
	s28 =	sand.u32 $0xC00, s19;
	s20 =	sand.u32 $0x70, s26  }
0xbe: {  	s26 =	sadd.s32 $0x10, s26;
	s20 =	sor.u32 s20, s28;
	[tilespmem:s17+$0x0] =	vst v1  }
0xbf: {  	v1 =	vld [tilespmem:s20+$0x6800];
	s1 =	sadd.s32 $0x10, s1  }
0xc0: {  	v2 =	vld [tilespmem:s1+$0x0]  }
0xc1: {  	s28 =	sand.u32 $0x1F0, s18;
	v4 =	vld [tilespmem:s20+$0x6880]  }
0xc2: {  	v3 =	vld [tilespmem:s28+$0x3600]  }
0xc3: {  	v6 =	vld [tilespmem:s20+$0x6900]  }
0xc4: {  	v5 =	vld [tilespmem:s28+$0x3800]  }
0xc5: {  	v7 =	vld [tilespmem:s20+$0x6980];
	v1 =	vmul.f32 v1, v2  }
0xc6: {  	v2 =	vld [tilespmem:s28+$0x3A00]  }
0xc7: {  	v60 =	vld [tilespmem:s20+$0x6A00];
	v0 =	vadd.f32 v1, v0;
	v1 =	vmul.f32 v4, v3  }
0xc8: {  	v3 =	vld [tilespmem:s28+$0x3C00]  }
0xc9: {  	v62 =	vld [tilespmem:s20+$0x6A80];
	v0 =	vadd.f32 v1, v0;
	v1 =	vmul.f32 v6, v5  }
0xca: {  	v61 =	vld [tilespmem:s28+$0x3E00]  }
0xcb: {  	v63 =	vld [tilespmem:s20+$0x6B00];
	v0 =	vadd.f32 v1, v0;
	v1 =	vmul.f32 v7, v2  }
0xcc: {  	v2 =	vld [tilespmem:s28+$0x4000]  }
0xcd: {  	v0 =	vadd.f32 v1, v0;
	v1 =	vmul.f32 v60, v3;
	_ =	sdelay $0x1  }
0xce: {  	v0 =	vadd.f32 v1, v0;
	v1 =	vmul.f32 v62, v61;
	_ =	sdelay $0x1  }
0xcf: {  	v0 =	vadd.f32 v1, v0;
	v1 =	vmul.f32 v63, v2;
	_ =	sdelay $0x1  }
0xd0: {  	v0 =	vadd.f32 v1, v0  }
0xd1: {  	s29 =	sadd.s32 $0x10, s17  }
0xd2: {  	[tilespmem:s29+$0x0] =	vst v0  }
0xd3: {  	_ =	swait.ge [sflag:s23], $0xC00  }
0xd4: {  	s17 =	simm.s32 $0x0;
	[sflag:s23] =	ssyncset.done $0x0  }
0xd5: {  	s19 =	simm.s32 $0x10;
	s1 =	simm.s32 $0xA800;
	[sflag:s23] =	ssyncadd.s32 $0xFFFFF400  }
0xd6: {  	s18 =	simm.s32 $0x0;
	s20 =	sand.u32 $0x1F0, s17;
	s26 =	sor.u32 s17, s17;
	v0 =	vld [tilespmem:s1+$0x0]  }
.LBB2_6:
0xd7: {  	p1 =	sne.s32 s19, $0x1F0;
	v1 =	vld [tilespmem:s20+$0x4200];
	s26 =	sor.u32 $0x380, s26  }
0xd8: {  	s28 =	sand.u32 $0x70, s17;
	s29 =	sand.u32 $0xC00, s18;
	s17 =	smov.u32 s19;
	v2 =	vld [tilespmem:s26+$0x6800]  }
0xd9: {  	s26 =	sor.u32 s28, s29;
	v3 =	vld [tilespmem:s20+$0x4400]  }
0xda: {  	v4 =	vld [tilespmem:s26+$0x7800]  }
0xdb: {  	v5 =	vld [tilespmem:s20+$0x4600]  }
0xdc: {  	v6 =	vld [tilespmem:s26+$0x7880]  }
0xdd: {  	v1 =	vmul.f32 v2, v1;
	v2 =	vld [tilespmem:s20+$0x4800]  }
0xde: {  	v7 =	vld [tilespmem:s26+$0x7900]  }
0xdf: {  	v0 =	vadd.f32 v1, v0;
	v1 =	vmul.f32 v4, v3;
	v3 =	vld [tilespmem:s20+$0x4A00]  }
0xe0: {  	v4 =	vld [tilespmem:s26+$0x7980]  }
0xe1: {  	v0 =	vadd.f32 v1, v0;
	v1 =	vmul.f32 v6, v5;
	v5 =	vld [tilespmem:s20+$0x4C00]  }
0xe2: {  	v6 =	vld [tilespmem:s26+$0x7A00]  }
0xe3: {  	v0 =	vadd.f32 v1, v0;
	v1 =	vmul.f32 v7, v2;
	_ =	sdelay $0x1  }
0xe4: {  	v0 =	vadd.f32 v1, v0;
	v1 =	vmul.f32 v4, v3;
	_ =	sdelay $0x1  }
0xe5: {  	v0 =	vadd.f32 v1, v0;
	v1 =	vmul.f32 v6, v5  }
.Ltmp2:
0xe6: {  	(pc) =	sbr.rel @p1 .LBB2_6-.Ltmp2, $3  }
0xe7: {  	v0 =	vadd.f32 v1, v0;
	_ =	sdelay $0x1  }
0xe8: {  	s18 =	sadd.s32 $0x80, s18;
	[tilespmem:s1+$0x0] =	vst v0;
	s1 =	sadd.s32 $0x10, s1  }
0xe9: {  	s19 =	sadd.s32 $0x10, s19;
	s20 =	sand.u32 $0x1F0, s17;
	s26 =	sor.u32 s18, s17;
	v0 =	vld [tilespmem:s1+$0x0]  }
0xea: {  	v1 =	vld [tilespmem:s20+$0x4200];
	s19 =	sor.u32 $0x380, s26  }
0xeb: {  	s17 =	sand.u32 $0x70, s17;
	s18 =	sand.u32 $0xC00, s18;
	v2 =	vld [tilespmem:s19+$0x6800]  }
0xec: {  	v3 =	vld [tilespmem:s20+$0x4400];
	s17 =	sor.u32 s17, s18  }
0xed: {  	v4 =	vld [tilespmem:s17+$0x7800]  }
0xee: {  	v5 =	vld [tilespmem:s20+$0x4600]  }
0xef: {  	v6 =	vld [tilespmem:s17+$0x7880]  }
0xf0: {  	v7 =	vld [tilespmem:s17+$0x7900];
	v1 =	vmul.f32 v2, v1  }
0xf1: {  	v2 =	vld [tilespmem:s20+$0x4800]  }
0xf2: {  	v61 =	vld [tilespmem:s17+$0x7980];
	v0 =	vadd.f32 v1, v0;
	v1 =	vmul.f32 v4, v3  }
0xf3: {  	v3 =	vld [tilespmem:s20+$0x4A00]  }
0xf4: {  	v62 =	vld [tilespmem:s20+$0x4C00];
	v0 =	vadd.f32 v1, v0;
	v1 =	vmul.f32 v6, v5  }
0xf5: {  	v63 =	vld [tilespmem:s17+$0x7A00]  }
0xf6: {  	v0 =	vadd.f32 v1, v0;
	v1 =	vmul.f32 v7, v2;
	_ =	sdelay $0x1  }
0xf7: {  	v0 =	vadd.f32 v1, v0;
	v1 =	vmul.f32 v61, v3;
	_ =	sdelay $0x1  }
0xf8: {  	v0 =	vadd.f32 v1, v0;
	v1 =	vmul.f32 v63, v62;
	_ =	sdelay $0x1  }
0xf9: {  	v0 =	vadd.f32 v1, v0;
	_ =	sdelay $0x1  }
0xfa: {  	[tilespmem:s1+$0x0] =	vst v0  }
0xfb: {  	_ =	swait.ge [sflag:s23], $0xE00  }
0xfc: {  	s19 =	simm.s32 $0x10;
	[sflag:s23] =	ssyncset.done $0x0  }
0xfd: {  	s17 =	simm.s32 $0x0;
	s1 =	simm.s32 $0xA800;
	[sflag:s23] =	ssyncadd.s32 $0xFFFFF200  }
0xfe: {  	s18 =	sand.u32 $0x1F0, s17;
	s26 =	sand.u32 $0xC00, s17;
	s20 =	sand.u32 $0x70, s17;
	v0 =	vld [tilespmem:s1+$0x0]  }
.LBB2_8:
0xff: {  	p1 =	sne.s32 s19, $0x1F0;
	v1 =	vld [tilespmem:s18+$0x4E00];
	s20 =	sor.u32 s20, s26  }
0x100: {  	v2 =	vld [tilespmem:s20+$0x7A80]  }
0x101: {  	v3 =	vld [tilespmem:s18+$0x5000]  }
0x102: {  	v4 =	vld [tilespmem:s20+$0x7B00]  }
0x103: {  	v5 =	vld [tilespmem:s18+$0x5200]  }
0x104: {  	v6 =	vld [tilespmem:s20+$0x7B80]  }
0x105: {  	v1 =	vmul.f32 v2, v1;
	v2 =	vld [tilespmem:s18+$0x5400]  }
0x106: {  	v7 =	vld [tilespmem:s20+$0x8800]  }
0x107: {  	v0 =	vadd.f32 v1, v0;
	v1 =	vmul.f32 v4, v3;
	v3 =	vld [tilespmem:s18+$0x5600]  }
0x108: {  	v4 =	vld [tilespmem:s20+$0x8880]  }
0x109: {  	v0 =	vadd.f32 v1, v0;
	v1 =	vmul.f32 v6, v5;
	v5 =	vld [tilespmem:s18+$0x5800]  }
0x10a: {  	v6 =	vld [tilespmem:s20+$0x8900]  }
0x10b: {  	v0 =	vadd.f32 v1, v0;
	v1 =	vmul.f32 v7, v2;
	v2 =	vld [tilespmem:s18+$0x5A00]  }
0x10c: {  	v7 =	vld [tilespmem:s20+$0x8980]  }
0x10d: {  	v0 =	vadd.f32 v1, v0;
	v1 =	vmul.f32 v4, v3;
	_ =	sdelay $0x1  }
0x10e: {  	v0 =	vadd.f32 v1, v0;
	v1 =	vmul.f32 v6, v5;
	_ =	sdelay $0x1  }
0x10f: {  	v0 =	vadd.f32 v1, v0;
	v1 =	vmul.f32 v7, v2  }
.Ltmp3:
0x110: {  	(pc) =	sbr.rel @p1 .LBB2_8-.Ltmp3, $3  }
0x111: {  	v0 =	vadd.f32 v1, v0;
	_ =	sdelay $0x1  }
0x112: {  	s17 =	sadd.s32 $0x80, s17;
	s18 =	sand.u32 $0x1F0, s19;
	[tilespmem:s1+$0x0] =	vst v0;
	s1 =	sadd.s32 $0x10, s1  }
0x113: {  	s26 =	sand.u32 $0xC00, s17;
	s20 =	sand.u32 $0x70, s19;
	s19 =	sadd.s32 $0x10, s19;
	v0 =	vld [tilespmem:s1+$0x0]  }
0x114: {  	v1 =	vld [tilespmem:s18+$0x4E00];
	s17 =	sor.u32 s20, s26  }
0x115: {  	v2 =	vld [tilespmem:s17+$0x7A80]  }
0x116: {  	v3 =	vld [tilespmem:s18+$0x5000]  }
0x117: {  	v4 =	vld [tilespmem:s17+$0x7B00]  }
0x118: {  	v5 =	vld [tilespmem:s18+$0x5200]  }
0x119: {  	v6 =	vld [tilespmem:s17+$0x7B80]  }
0x11a: {  	v7 =	vld [tilespmem:s17+$0x8800];
	v1 =	vmul.f32 v2, v1  }
0x11b: {  	v2 =	vld [tilespmem:s18+$0x5400]  }
0x11c: {  	v60 =	vld [tilespmem:s17+$0x8880];
	v0 =	vadd.f32 v1, v0;
	v1 =	vmul.f32 v4, v3  }
0x11d: {  	v3 =	vld [tilespmem:s18+$0x5600]  }
0x11e: {  	v61 =	vld [tilespmem:s18+$0x5800];
	v0 =	vadd.f32 v1, v0;
	v1 =	vmul.f32 v6, v5  }
0x11f: {  	v62 =	vld [tilespmem:s17+$0x8900]  }
0x120: {  	v63 =	vld [tilespmem:s17+$0x8980];
	v0 =	vadd.f32 v1, v0;
	v1 =	vmul.f32 v7, v2  }
0x121: {  	v2 =	vld [tilespmem:s18+$0x5A00]  }
0x122: {  	v0 =	vadd.f32 v1, v0;
	v1 =	vmul.f32 v60, v3;
	_ =	sdelay $0x1  }
0x123: {  	v0 =	vadd.f32 v1, v0;
	v1 =	vmul.f32 v62, v61;
	_ =	sdelay $0x1  }
0x124: {  	v0 =	vadd.f32 v1, v0;
	v1 =	vmul.f32 v63, v2;
	_ =	sdelay $0x1  }
0x125: {  	v0 =	vadd.f32 v1, v0;
	_ =	sdelay $0x1  }
0x126: {  	[tilespmem:s1+$0x0] =	vst v0  }
0x127: {  	_ =	swait.ge [sflag:s23], $0xC00  }
0x128: {  	s19 =	simm.s32 $0x10;
	[sflag:s23] =	ssyncset.done $0x0  }
0x129: {  	s17 =	simm.s32 $0x0;
	s1 =	simm.s32 $0xA800;
	[sflag:s23] =	ssyncadd.s32 $0xFFFFF400  }
0x12a: {  	s20 =	sand.u32 $0x70, s17;
	s26 =	sand.u32 $0xC00, s17;
	s18 =	sand.u32 $0x1F0, s17;
	v0 =	vld [tilespmem:s1+$0x0]  }
.LBB2_10:
0x12b: {  	p1 =	sne.s32 s19, $0x1F0;
	v1 =	vld [tilespmem:s18+$0x5C00];
	s20 =	sor.u32 s20, s26  }
0x12c: {  	v2 =	vld [tilespmem:s20+$0x8A00]  }
0x12d: {  	v3 =	vld [tilespmem:s18+$0x5E00]  }
0x12e: {  	v4 =	vld [tilespmem:s20+$0x8A80]  }
0x12f: {  	v5 =	vld [tilespmem:s18+$0x6000]  }
0x130: {  	v6 =	vld [tilespmem:s20+$0x8B00]  }
0x131: {  	v1 =	vmul.f32 v2, v1;
	v2 =	vld [tilespmem:s18+$0x6200]  }
0x132: {  	v7 =	vld [tilespmem:s20+$0x8B80]  }
0x133: {  	v0 =	vadd.f32 v1, v0;
	v1 =	vmul.f32 v4, v3;
	v3 =	vld [tilespmem:s18+$0x6400]  }
0x134: {  	v4 =	vld [tilespmem:s20+$0x9800]  }
0x135: {  	v0 =	vadd.f32 v1, v0;
	v1 =	vmul.f32 v6, v5;
	v5 =	vld [tilespmem:s18+$0x6600]  }
0x136: {  	v6 =	vld [tilespmem:s20+$0x9880]  }
0x137: {  	v0 =	vadd.f32 v1, v0;
	v1 =	vmul.f32 v7, v2;
	_ =	sdelay $0x1  }
0x138: {  	v0 =	vadd.f32 v1, v0;
	v1 =	vmul.f32 v4, v3;
	_ =	sdelay $0x1  }
0x139: {  	v0 =	vadd.f32 v1, v0;
	v1 =	vmul.f32 v6, v5  }
.Ltmp4:
0x13a: {  	(pc) =	sbr.rel @p1 .LBB2_10-.Ltmp4, $3  }
0x13b: {  	v0 =	vadd.f32 v1, v0;
	_ =	sdelay $0x1  }
0x13c: {  	s17 =	sadd.s32 $0x80, s17;
	s18 =	sand.u32 $0x1F0, s19;
	[tilespmem:s1+$0x0] =	vst v0;
	s1 =	sadd.s32 $0x10, s1  }
0x13d: {  	s26 =	sand.u32 $0xC00, s17;
	s20 =	sand.u32 $0x70, s19;
	s19 =	sadd.s32 $0x10, s19;
	v0 =	vld [tilespmem:s1+$0x0]  }
0x13e: {  	v1 =	vld [tilespmem:s18+$0x5C00];
	s17 =	sor.u32 s20, s26  }
0x13f: {  	v2 =	vld [tilespmem:s17+$0x8A00]  }
0x140: {  	v3 =	vld [tilespmem:s18+$0x5E00]  }
0x141: {  	v4 =	vld [tilespmem:s17+$0x8A80]  }
0x142: {  	v5 =	vld [tilespmem:s18+$0x6000]  }
0x143: {  	v6 =	vld [tilespmem:s17+$0x8B00]  }
0x144: {  	v54 =	vld [tilespmem:s18+$0x6200];
	v1 =	vmul.f32 v2, v1  }
0x145: {  	v7 =	vld [tilespmem:s17+$0x8B80]  }
0x146: {  	v56 =	vld [tilespmem:s18+$0x6400];
	v55 =	vmul.f32 v4, v3;
	v0 =	vadd.f32 v1, v0  }
0x147: {  	v57 =	vld [tilespmem:s17+$0x9800]  }
0x148: {  	v59 =	vld [tilespmem:s18+$0x6600];
	v58 =	vmul.f32 v6, v5;
	v0 =	vadd.f32 v55, v0  }
0x149: {  	v60 =	vld [tilespmem:s17+$0x9880]  }
0x14a: {  	v61 =	vmul.f32 v7, v54;
	v0 =	vadd.f32 v58, v0;
	_ =	sdelay $0x1  }
0x14b: {  	v62 =	vmul.f32 v57, v56;
	v0 =	vadd.f32 v61, v0;
	_ =	sdelay $0x1  }
0x14c: {  	v63 =	vmul.f32 v60, v59;
	v0 =	vadd.f32 v62, v0;
	_ =	sdelay $0x1  }
0x14d: {  	s2 =	sadd.s32 $0x1, s2;
	v0 =	vadd.f32 v63, v0  }
0x14e: {  	p1 =	sne.s32 s2, s12  }
.Ltmp5:
0x14f: {  	[tilespmem:s1+$0x0] =	vst v0;
	(pc) =	sbr.rel @p1 .LBB2_1-.Ltmp5, $4  }
0x150: {  	[hbm4b:s11+s4] =	stream.linear.scatter [tilespmem:s0], [sflag:$0x3], $0x200, $0x38;
	[tilespmem:$0x19EA8] =	vst v63  }
0x151: {  	_ =	swait.ge [sflag:s22], $0x200  }
0x152: {  	[sflag:s22] =	ssyncset.done $0x0  }
0x153: {  	[sflag:s22] =	ssyncadd.s32 $0xFFFFFE00  }
0x154: {  	_ =	sfence.sel $0x180000  }
0x155: {  	[bflag:$0x0] =	sbarrier.arrive $0xFFFF  }
0x156: {  	_ =	strace $0x90000047  }
0x157: {  	s0 =	stileid.u32;
	[bflag:$0x2] =	sbarrier.arrive $0xFFFF  }
0x158: {  	p0 =	sne.s32 s0, $0x0;
	s0 =	rddreg [dreg:$0x6]  }
0x159: {  	s0 =	sadd.s32 @!p0 $0x100000, s0  }
0x15a: {  	[sflag:s0] =	ssyncadd.tile.s32 @!p0 $0x1;
	_ =	shalt  }
.Lfunc_end2:
_tile_overlayer_lowered:
.L_overlay_start_2:
0x15b: {  	(tag) =	ssettag $0x2  }
0x15c: {  	s0 =	rddreg [dreg:$0x0];
	s2 =	stileid.u32  }
0x15d: {  	s1 =	rddreg [dreg:$0x1];
	p0 =	sne.s32 s2, $0x0  }
0x15e: {  	s3 =	rddreg [dreg:$0x2];
	[bflag:$0x3] =	sbarrier.arrive $0xFFFF;
	s2 =	simm.s32 @!p0 $0x1C03  }
0x15f: {  	[timem:s3], [sflag:s2] =	dma.local @!p0 [hbm:s0], s1  }
0x160: {  	s0 =	simm.s32 @!p0 $0x3  }
0x161: {  	_ =	swait.ge @!p0 [sflag:s0], s1  }
0x162: {  	s1 =	ssub.s32 @!p0 $0x0, s1;
	[sflag:s0] =	ssyncset.done @!p0 $0x0  }
0x163: {  	[sflag:s0] =	ssyncadd.s32 @!p0 s1  }
0x164: {  	[bflag:$0x3] =	sbarrier.arrive $0xFFFF  }
0x165: {  	_ =	shalt  }

</sc_bundles>
